<compile_context>
chip_gen: v7x
topology: tpu7x:2x2x1
jax: 0.10.2.dev20260603
libtpu: 0.0.44.dev20260713+nightly
codegen_flags: <defaults>
</compile_context>

<pallas_src>
import functools

import jax
import jax.numpy as jnp
from jax import lax
from jax.experimental import pallas as pl
from jax.experimental.pallas import tpu as pltpu
from jax.experimental.pallas import tpu_sc as plsc

B = 1024
L = 200
D = 128
N = B * L
NC = 2
NS = 16
NW = NC * NS
PER_W = N // NW
CHUNK = 80
NCHUNK = PER_W // CHUNK
LANES = 16
VECS_PER_ROW = D // LANES
NBUF = 5
LEAD = 2

_mesh = plsc.VectorSubcoreMesh(core_axis_name="c", subcore_axis_name="s")


@functools.partial(
    pl.kernel,
    out_type=jax.ShapeDtypeStruct((N, D), jnp.float32),
    mesh=_mesh,
    scratch_types=[
        pltpu.VMEM((PER_W,), jnp.int32),
        pltpu.VMEM((L, D), jnp.float32),
        pltpu.VMEM((CHUNK, D), jnp.float32),
        pltpu.VMEM((CHUNK, D), jnp.float32),
        pltpu.VMEM((CHUNK, D), jnp.float32),
        pltpu.VMEM((CHUNK, D), jnp.float32),
        pltpu.VMEM((CHUNK, D), jnp.float32),
        pltpu.SemaphoreType.DMA((NBUF,)),
        pltpu.SemaphoreType.DMA((NBUF,)),
        pltpu.SemaphoreType.DMA,
    ],
)
def _embed(ids_hbm, tok_hbm, pos_hbm, out_hbm,
           idx_v, pos_v, r0, r1, r2, r3, r4, gsem, ssem, psem):
    bufs = [r0, r1, r2, r3, r4]
    wid = lax.axis_index("s") * NC + lax.axis_index("c")
    base = wid * PER_W

    pltpu.sync_copy(ids_hbm.at[pl.ds(base, PER_W)], idx_v)
    pos_copy = pltpu.async_copy(pos_hbm.at[pl.ds(0, L)], pos_v, psem)

    def issue_gather(j, b):
        idx_slice = idx_v.at[pl.ds(j * CHUNK, CHUNK)]
        pltpu.async_copy(tok_hbm.at[idx_slice], bufs[b], gsem.at[b])

    def wait_gather(b):
        idx_slice = idx_v.at[pl.ds(0, CHUNK)]
        pltpu.make_async_copy(tok_hbm.at[idx_slice], bufs[b], gsem.at[b]).wait()

    def issue_scatter(j, b):
        out_slice = out_hbm.at[pl.ds(base + j * CHUNK, CHUNK)]
        pltpu.async_copy(bufs[b], out_slice, ssem.at[b])

    def wait_scatter(b):
        out_slice = out_hbm.at[pl.ds(0, CHUNK)]
        pltpu.make_async_copy(bufs[b], out_slice, ssem.at[b]).wait()

    for b in range(LEAD):
        issue_gather(b, b)
    pos_copy.wait()

    def outer_body(jj, carry):
        j0 = jj * NBUF
        for b in range(NBUF):
            j = j0 + b
            b2 = (b + LEAD) % NBUF

            @pl.when(j + LEAD < NCHUNK)
            def _():
                @pl.when(j + LEAD >= NBUF)
                def _():
                    wait_scatter(b2)
                issue_gather(j + LEAD, b2)

            wait_gather(b)

            prow0 = lax.rem(j * CHUNK, L)
            rows = bufs[b]

            @plsc.parallel_loop(0, CHUNK, step=1, unroll=4)
            def _(r):
                p = prow0 + r
                p = jnp.where(p >= L, p - L, p)
                for c in range(VECS_PER_ROW):
                    sl = pl.ds(c * LANES, LANES)
                    plsc.addupdate(rows.at[r, sl], pos_v[p, sl])

            issue_scatter(j, b)
        return carry

    lax.fori_loop(0, NCHUNK // NBUF, outer_body, 0)

    for b in range(NBUF):
        wait_scatter(b)


def kernel(input_ids, token_table, pos_table):
    ids_flat = input_ids.reshape(-1).astype(jnp.int32)
    out = _embed(ids_flat, token_table, pos_table)
    return out.reshape(B, L, D)

# --- scband reference (transcript-rebuilt; emitter-appended) ---
"""Pipeline reference for scband-input-embeddings-19731079758370 (READ-ONLY COPY).

The authoritative reference and input builder live on the scoring server;
editing this copy changes nothing except your own understanding.
"""

import jax, jax.numpy as jnp
import numpy as np

VOCAB = 100000
EMBED = 128
MAX_POS = 512
B = 1024
L = 200

def setup_inputs(seed: int = 0) -> dict:
    key = jax.random.key(seed)
    k1, k2, k3 = jax.random.split(key, 3)
    input_ids = jax.random.randint(k1, (B, L), 0, VOCAB, dtype=jnp.int64 if jax.config.jax_enable_x64 else jnp.int32)
    token_table = jax.random.normal(k2, (VOCAB, EMBED), dtype=jnp.float32) * 0.02
    pos_table = jax.random.normal(k3, (MAX_POS, EMBED), dtype=jnp.float32) * 0.02
    return {"input_ids": input_ids, "token_table": token_table, "pos_table": pos_table}

def reference(input_ids, token_table, pos_table):
    batch_size, seq_length = input_ids.shape
    position_ids = jnp.arange(seq_length)[None, :]  # broadcast over batch
    token_embeds = jnp.take(token_table, input_ids, axis=0)          # [B, L, D]
    pos_embeds = jnp.take(pos_table, position_ids, axis=0)           # [1, L, D]
    return token_embeds + pos_embeds

if __name__ == "__main__":
    import jax
    _d = setup_inputs()
    print(jax.jit(kernel)(*tuple(_d.values())))

</pallas_src>

<mosaic_0001>
#map = affine_map<(d0, d1) -> (0)>
#map1 = affine_map<(d0, d1) -> (0, 0)>
module attributes {stable_mosaic.version = 14 : i64} {
  func.func @_embed(%arg0: i32, %arg1: i32, %arg2: memref<204800xi32, #tpu.memory_space<hbm>>, %arg3: memref<100000x128xf32, #tpu.memory_space<hbm>>, %arg4: memref<512x128xf32, #tpu.memory_space<hbm>>, %arg5: memref<204800x128xf32, #tpu.memory_space<hbm>>, %arg6: memref<6400xi32, #tpu.memory_space<vmem>>, %arg7: memref<200x128xf32, #tpu.memory_space<vmem>>, %arg8: memref<80x128xf32, #tpu.memory_space<vmem>>, %arg9: memref<80x128xf32, #tpu.memory_space<vmem>>, %arg10: memref<80x128xf32, #tpu.memory_space<vmem>>, %arg11: memref<80x128xf32, #tpu.memory_space<vmem>>, %arg12: memref<80x128xf32, #tpu.memory_space<vmem>>, %arg13: memref<5x!tpu.dma_semaphore, #tpu.memory_space<semaphore_mem>>, %arg14: memref<5x!tpu.dma_semaphore, #tpu.memory_space<semaphore_mem>>, %arg15: memref<!tpu.dma_semaphore, #tpu.memory_space<semaphore_mem>>) attributes {dimension_semantics = [#tpu.dimension_semantics<core_parallel>, #tpu.dimension_semantics<subcore_parallel>], iteration_bounds = array<i64: 2, 16>, scalar_prefetch = 0 : i64, scratch_operands = 10 : i64, tpu.core_type = #tpu.core_type<sc_vector_subcore>, window_params = [{transform_indices = #map}, {transform_indices = #map1}, {transform_indices = #map1}, {transform_indices = #map1}]} {
    %mul3A = arith.constant 2 : i32
    %mul3A_0 = arith.muli %arg1, %mul3A : i32
    %add3A = arith.addi %mul3A_0, %arg0 : i32
    %mul3A_1 = arith.constant 6400 : i32
    %mul3A_2 = arith.muli %add3A, %mul3A_1 : i32
    "tpu.region"() ({
      %run_scoped3A = tpu.sem_alloc : memref<!tpu.dma_semaphore, #tpu.memory_space<semaphore_mem>>
      %dma_start3A_79 = tpu.memref_slice %arg2[%mul3A_2] : memref<204800xi32, #tpu.memory_space<hbm>> -> memref<6400xi32, #tpu.memory_space<hbm>>
      %dma_start3A_80 = tpu.memref_slice %arg2[%mul3A_2] : memref<204800xi32, #tpu.memory_space<hbm>> -> memref<6400xi32, #tpu.memory_space<hbm>>
      tpu.enqueue_dma source(%dma_start3A_80 : memref<6400xi32, #tpu.memory_space<hbm>>) target(%arg6 : memref<6400xi32, #tpu.memory_space<vmem>>) target_semaphore(%run_scoped3A : memref<!tpu.dma_semaphore, #tpu.memory_space<semaphore_mem>>)
      %dma_wait3A_81 = tpu.memref_slice %arg2[%mul3A_2] : memref<204800xi32, #tpu.memory_space<hbm>> -> memref<6400xi32, #tpu.memory_space<hbm>>
      %dma_wait3A_82 = tpu.memref_slice %arg2[%mul3A_2] : memref<204800xi32, #tpu.memory_space<hbm>> -> memref<6400xi32, #tpu.memory_space<hbm>>
      tpu.wait_dma2 semaphore(%run_scoped3A : memref<!tpu.dma_semaphore, #tpu.memory_space<semaphore_mem>>) src(%dma_wait3A_82 : memref<6400xi32, #tpu.memory_space<hbm>>) dst(%arg6 : memref<6400xi32, #tpu.memory_space<vmem>>)
      tpu.yield
    }) : () -> ()
    %dma_start3A = arith.constant 0 : i32
    %dma_start3A_3 = arith.constant 0 : i32
    %dma_start3A_4 = tpu.memref_slice %arg4[%dma_start3A, %dma_start3A_3] : memref<512x128xf32, #tpu.memory_space<hbm>> -> memref<200x128xf32, #tpu.memory_space<hbm>>
    %dma_start3A_5 = arith.constant 0 : i32
    %dma_start3A_6 = arith.constant 0 : i32
    %dma_start3A_7 = tpu.memref_slice %arg4[%dma_start3A_5, %dma_start3A_6] : memref<512x128xf32, #tpu.memory_space<hbm>> -> memref<200x128xf32, #tpu.memory_space<hbm>>
    tpu.enqueue_dma source(%dma_start3A_7 : memref<200x128xf32, #tpu.memory_space<hbm>>) target(%arg7 : memref<200x128xf32, #tpu.memory_space<vmem>>) target_semaphore(%arg15 : memref<!tpu.dma_semaphore, #tpu.memory_space<semaphore_mem>>)
    %dma_start3A_8 = arith.constant 0 : i32
    %dma_start3A_9 = arith.constant 0 : i32
    %dma_start3A_10 = tpu.memref_slice %arg6[%dma_start3A_9] : memref<6400xi32, #tpu.memory_space<vmem>> -> memref<80xi32, #tpu.memory_space<vmem>>
    %dma_start3A_11 = arith.constant 0 : i32
    %dma_start3A_12 = arith.constant 0 : i32
    %dma_start3A_13 = tpu.memref_slice %arg3[%dma_start3A_11, %dma_start3A_12] : memref<100000x128xf32, #tpu.memory_space<hbm>> -> memref<100000x128xf32, #tpu.memory_space<hbm>>
    %dma_start3A_14 = tpu.memref_slice %arg13[%dma_start3A_8] : memref<5x!tpu.dma_semaphore, #tpu.memory_space<semaphore_mem>> -> memref<1x!tpu.dma_semaphore, #tpu.memory_space<semaphore_mem>>
    %dma_start3A_15 = tpu.memref_squeeze %dma_start3A_14 : memref<1x!tpu.dma_semaphore, #tpu.memory_space<semaphore_mem>> -> memref<!tpu.dma_semaphore, #tpu.memory_space<semaphore_mem>>
    tpu.enqueue_indirect_dma source(%dma_start3A_13 : memref<100000x128xf32, #tpu.memory_space<hbm>>) target(%arg8 : memref<80x128xf32, #tpu.memory_space<vmem>>) offsets(%dma_start3A_10 : memref<80xi32, #tpu.memory_space<vmem>>) semaphore(%dma_start3A_15 : memref<!tpu.dma_semaphore, #tpu.memory_space<semaphore_mem>>)
    %dma_start3A_16 = arith.constant 1 : i32
    %dma_start3A_17 = arith.constant 80 : i32
    %dma_start3A_18 = tpu.memref_slice %arg6[%dma_start3A_17] : memref<6400xi32, #tpu.memory_space<vmem>> -> memref<80xi32, #tpu.memory_space<vmem>>
    %dma_start3A_19 = arith.constant 0 : i32
    %dma_start3A_20 = arith.constant 0 : i32
    %dma_start3A_21 = tpu.memref_slice %arg3[%dma_start3A_19, %dma_start3A_20] : memref<100000x128xf32, #tpu.memory_space<hbm>> -> memref<100000x128xf32, #tpu.memory_space<hbm>>
    %dma_start3A_22 = tpu.memref_slice %arg13[%dma_start3A_16] : memref<5x!tpu.dma_semaphore, #tpu.memory_space<semaphore_mem>> -> memref<1x!tpu.dma_semaphore, #tpu.memory_space<semaphore_mem>>
    %dma_start3A_23 = tpu.memref_squeeze %dma_start3A_22 : memref<1x!tpu.dma_semaphore, #tpu.memory_space<semaphore_mem>> -> memref<!tpu.dma_semaphore, #tpu.memory_space<semaphore_mem>>
    tpu.enqueue_indirect_dma source(%dma_start3A_21 : memref<100000x128xf32, #tpu.memory_space<hbm>>) target(%arg9 : memref<80x128xf32, #tpu.memory_space<vmem>>) offsets(%dma_start3A_18 : memref<80xi32, #tpu.memory_space<vmem>>) semaphore(%dma_start3A_23 : memref<!tpu.dma_semaphore, #tpu.memory_space<semaphore_mem>>)
    %dma_wait3A = arith.constant 0 : i32
    %dma_wait3A_24 = arith.constant 0 : i32
    %dma_wait3A_25 = tpu.memref_slice %arg4[%dma_wait3A, %dma_wait3A_24] : memref<512x128xf32, #tpu.memory_space<hbm>> -> memref<200x128xf32, #tpu.memory_space<hbm>>
    %dma_wait3A_26 = arith.constant 0 : i32
    %dma_wait3A_27 = arith.constant 0 : i32
    %dma_wait3A_28 = tpu.memref_slice %arg4[%dma_wait3A_26, %dma_wait3A_27] : memref<512x128xf32, #tpu.memory_space<hbm>> -> memref<200x128xf32, #tpu.memory_space<hbm>>
    tpu.wait_dma2 semaphore(%arg15 : memref<!tpu.dma_semaphore, #tpu.memory_space<semaphore_mem>>) src(%dma_wait3A_28 : memref<200x128xf32, #tpu.memory_space<hbm>>) dst(%arg7 : memref<200x128xf32, #tpu.memory_space<vmem>>)
    %scan3A = arith.constant 0 : i32
    %scan3A_29 = arith.constant 0 : i32
    %scan3A_30 = arith.constant 16 : i32
    %scan3A_31 = arith.addi %scan3A_29, %scan3A_30 : i32
    %scan3A_32 = arith.constant 1 : i32
    scf.for %scan3A_79 = %scan3A_29 to %scan3A_31 step %scan3A_32  : i32 {
      %mul3A_80 = arith.constant 5 : i32
      %mul3A_81 = arith.muli %scan3A_79, %mul3A_80 : i32
      %add3A_82 = arith.constant 0 : i32
      %add3A_83 = arith.addi %mul3A_81, %add3A_82 : i32
      %add3A_84 = arith.constant 2 : i32
      %add3A_85 = arith.addi %add3A_83, %add3A_84 : i32
      %lt3A = arith.constant 80 : i32
      %lt3A_86 = arith.cmpi slt, %add3A_85, %lt3A : i32
      %convert_element_type3A = arith.extui %lt3A_86 : i1 to i32
      %cond3A = arith.constant 0 : i32
      %cond3A_87 = arith.cmpi ne, %convert_element_type3A, %cond3A : i32
      scf.if %cond3A_87 {
        %add3A_247 = arith.constant 2 : i32
        %add3A_248 = arith.addi %add3A_83, %add3A_247 : i32
        %ge3A = arith.constant 5 : i32
        %ge3A_249 = arith.cmpi sge, %add3A_248, %ge3A : i32
        %convert_element_type3A_250 = arith.extui %ge3A_249 : i1 to i32
        %cond3A_251 = arith.constant 0 : i32
        %cond3A_252 = arith.cmpi ne, %convert_element_type3A_250, %cond3A_251 : i32
        scf.if %cond3A_252 {
          %dma_wait3A_264 = arith.constant 2 : i32
          %dma_wait3A_265 = arith.constant 0 : i32
          %dma_wait3A_266 = arith.constant 0 : i32
          %dma_wait3A_267 = tpu.memref_slice %arg5[%dma_wait3A_265, %dma_wait3A_266] : memref<204800x128xf32, #tpu.memory_space<hbm>> -> memref<80x128xf32, #tpu.memory_space<hbm>>
          %dma_wait3A_268 = tpu.memref_slice %arg14[%dma_wait3A_264] : memref<5x!tpu.dma_semaphore, #tpu.memory_space<semaphore_mem>> -> memref<1x!tpu.dma_semaphore, #tpu.memory_space<semaphore_mem>>
          %dma_wait3A_269 = tpu.memref_squeeze %dma_wait3A_268 : memref<1x!tpu.dma_semaphore, #tpu.memory_space<semaphore_mem>> -> memref<!tpu.dma_semaphore, #tpu.memory_space<semaphore_mem>>
          %dma_wait3A_270 = arith.constant 0 : i32
          %dma_wait3A_271 = arith.constant 0 : i32
          %dma_wait3A_272 = tpu.memref_slice %arg5[%dma_wait3A_270, %dma_wait3A_271] : memref<204800x128xf32, #tpu.memory_space<hbm>> -> memref<80x128xf32, #tpu.memory_space<hbm>>
          tpu.wait_dma2 semaphore(%dma_wait3A_269 : memref<!tpu.dma_semaphore, #tpu.memory_space<semaphore_mem>>) src(%arg10 : memref<80x128xf32, #tpu.memory_space<vmem>>) dst(%dma_wait3A_272 : memref<80x128xf32, #tpu.memory_space<hbm>>)
        } else {
        }
        %add3A_253 = arith.constant 2 : i32
        %add3A_254 = arith.addi %add3A_83, %add3A_253 : i32
        %mul3A_255 = arith.constant 80 : i32
        %mul3A_256 = arith.muli %add3A_254, %mul3A_255 : i32
        %dma_start3A_257 = arith.constant 2 : i32
        %dma_start3A_258 = tpu.memref_slice %arg6[%mul3A_256] : memref<6400xi32, #tpu.memory_space<vmem>> -> memref<80xi32, #tpu.memory_space<vmem>>
        %dma_start3A_259 = arith.constant 0 : i32
        %dma_start3A_260 = arith.constant 0 : i32
        %dma_start3A_261 = tpu.memref_slice %arg3[%dma_start3A_259, %dma_start3A_260] : memref<100000x128xf32, #tpu.memory_space<hbm>> -> memref<100000x128xf32, #tpu.memory_space<hbm>>
        %dma_start3A_262 = tpu.memref_slice %arg13[%dma_start3A_257] : memref<5x!tpu.dma_semaphore, #tpu.memory_space<semaphore_mem>> -> memref<1x!tpu.dma_semaphore, #tpu.memory_space<semaphore_mem>>
        %dma_start3A_263 = tpu.memref_squeeze %dma_start3A_262 : memref<1x!tpu.dma_semaphore, #tpu.memory_space<semaphore_mem>> -> memref<!tpu.dma_semaphore, #tpu.memory_space<semaphore_mem>>
        tpu.enqueue_indirect_dma source(%dma_start3A_261 : memref<100000x128xf32, #tpu.memory_space<hbm>>) target(%arg10 : memref<80x128xf32, #tpu.memory_space<vmem>>) offsets(%dma_start3A_258 : memref<80xi32, #tpu.memory_space<vmem>>) semaphore(%dma_start3A_263 : memref<!tpu.dma_semaphore, #tpu.memory_space<semaphore_mem>>)
      } else {
      }
      %dma_wait3A_88 = arith.constant 0 : i32
      %dma_wait3A_89 = arith.constant 0 : i32
      %dma_wait3A_90 = tpu.memref_slice %arg6[%dma_wait3A_89] : memref<6400xi32, #tpu.memory_space<vmem>> -> memref<80xi32, #tpu.memory_space<vmem>>
      %dma_wait3A_91 = arith.constant 0 : i32
      %dma_wait3A_92 = arith.constant 0 : i32
      %dma_wait3A_93 = tpu.memref_slice %arg3[%dma_wait3A_91, %dma_wait3A_92] : memref<100000x128xf32, #tpu.memory_space<hbm>> -> memref<100000x128xf32, #tpu.memory_space<hbm>>
      %dma_wait3A_94 = tpu.memref_slice %arg13[%dma_wait3A_88] : memref<5x!tpu.dma_semaphore, #tpu.memory_space<semaphore_mem>> -> memref<1x!tpu.dma_semaphore, #tpu.memory_space<semaphore_mem>>
      %dma_wait3A_95 = tpu.memref_squeeze %dma_wait3A_94 : memref<1x!tpu.dma_semaphore, #tpu.memory_space<semaphore_mem>> -> memref<!tpu.dma_semaphore, #tpu.memory_space<semaphore_mem>>
      tpu.wait_indirect_dma semaphore(%dma_wait3A_95 : memref<!tpu.dma_semaphore, #tpu.memory_space<semaphore_mem>>) src(%dma_wait3A_93 : memref<100000x128xf32, #tpu.memory_space<hbm>>) dst(%arg8 : memref<80x128xf32, #tpu.memory_space<vmem>>)
      %mul3A_96 = arith.constant 80 : i32
      %mul3A_97 = arith.muli %add3A_83, %mul3A_96 : i32
      %rem3A = arith.constant 200 : i32
      %rem3A_98 = arith.remsi %mul3A_97, %rem3A : i32
      %parallel_loop3A = arith.constant 0 : i32
      %parallel_loop3A_99 = arith.constant 80 : i32
      %parallel_loop3A_100 = arith.constant 1 : i32
      scf.for %parallel_loop3A_247 = %parallel_loop3A to %parallel_loop3A_99 step %parallel_loop3A_100  : i32 {
        %parallel_loop3A_248 = arith.addi %rem3A_98, %parallel_loop3A_247 : i32
        %parallel_loop3A_249 = arith.constant 200 : i32
        %parallel_loop3A_250 = arith.cmpi sge, %parallel_loop3A_248, %parallel_loop3A_249 : i32
        %parallel_loop3A_251 = arith.constant 200 : i32
        %parallel_loop3A_252 = arith.subi %parallel_loop3A_248, %parallel_loop3A_251 : i32
        %parallel_loop3A_253 = arith.select %parallel_loop3A_250, %parallel_loop3A_252, %parallel_loop3A_248 : i32
        %parallel_loop3A_254 = arith.index_cast %parallel_loop3A_253 : i32 to index
        %parallel_loop3A_255 = arith.constant 0 : index
        %parallel_loop3A_256 = tpu.vector_load %arg7[%parallel_loop3A_254, %parallel_loop3A_255] {strides = array<i32>} : memref<200x128xf32, #tpu.memory_space<vmem>>, vector<1x16xf32>,
        %parallel_loop3A_257 = vector.shape_cast %parallel_loop3A_256 : vector<1x16xf32> to vector<16xf32>
        %parallel_loop3A_258 = arith.index_cast %parallel_loop3A_247 : i32 to index
        %parallel_loop3A_259 = arith.constant 0 : index
        %parallel_loop3A_260 = tpu.vector_load %arg8[%parallel_loop3A_258, %parallel_loop3A_259] {strides = array<i32>} : memref<80x128xf32, #tpu.memory_space<vmem>>, vector<1x16xf32>,
        %parallel_loop3A_261 = vector.shape_cast %parallel_loop3A_260 : vector<1x16xf32> to vector<16xf32>
        %parallel_loop3A_262 = vector.shape_cast %parallel_loop3A_257 : vector<16xf32> to vector<1x16xf32>
        tpu.vector_store %arg8[%parallel_loop3A_258, %parallel_loop3A_259], %parallel_loop3A_262 {add = true, strides = array<i32>} : memref<80x128xf32, #tpu.memory_space<vmem>>, vector<1x16xf32>,
        %parallel_loop3A_263 = arith.index_cast %parallel_loop3A_253 : i32 to index
        %parallel_loop3A_264 = arith.constant 16 : index
        %parallel_loop3A_265 = tpu.vector_load %arg7[%parallel_loop3A_263, %parallel_loop3A_264] {strides = array<i32>} : memref<200x128xf32, #tpu.memory_space<vmem>>, vector<1x16xf32>,
        %parallel_loop3A_266 = vector.shape_cast %parallel_loop3A_265 : vector<1x16xf32> to vector<16xf32>
        %parallel_loop3A_267 = arith.index_cast %parallel_loop3A_247 : i32 to index
        %parallel_loop3A_268 = arith.constant 16 : index
        %parallel_loop3A_269 = tpu.vector_load %arg8[%parallel_loop3A_267, %parallel_loop3A_268] {strides = array<i32>} : memref<80x128xf32, #tpu.memory_space<vmem>>, vector<1x16xf32>,
        %parallel_loop3A_270 = vector.shape_cast %parallel_loop3A_269 : vector<1x16xf32> to vector<16xf32>
        %parallel_loop3A_271 = vector.shape_cast %parallel_loop3A_266 : vector<16xf32> to vector<1x16xf32>
        tpu.vector_store %arg8[%parallel_loop3A_267, %parallel_loop3A_268], %parallel_loop3A_271 {add = true, strides = array<i32>} : memref<80x128xf32, #tpu.memory_space<vmem>>, vector<1x16xf32>,
        %parallel_loop3A_272 = arith.index_cast %parallel_loop3A_253 : i32 to index
        %parallel_loop3A_273 = arith.constant 32 : index
        %parallel_loop3A_274 = tpu.vector_load %arg7[%parallel_loop3A_272, %parallel_loop3A_273] {strides = array<i32>} : memref<200x128xf32, #tpu.memory_space<vmem>>, vector<1x16xf32>,
        %parallel_loop3A_275 = vector.shape_cast %parallel_loop3A_274 : vector<1x16xf32> to vector<16xf32>
        %parallel_loop3A_276 = arith.index_cast %parallel_loop3A_247 : i32 to index
        %parallel_loop3A_277 = arith.constant 32 : index
        %parallel_loop3A_278 = tpu.vector_load %arg8[%parallel_loop3A_276, %parallel_loop3A_277] {strides = array<i32>} : memref<80x128xf32, #tpu.memory_space<vmem>>, vector<1x16xf32>,
        %parallel_loop3A_279 = vector.shape_cast %parallel_loop3A_278 : vector<1x16xf32> to vector<16xf32>
        %parallel_loop3A_280 = vector.shape_cast %parallel_loop3A_275 : vector<16xf32> to vector<1x16xf32>
        tpu.vector_store %arg8[%parallel_loop3A_276, %parallel_loop3A_277], %parallel_loop3A_280 {add = true, strides = array<i32>} : memref<80x128xf32, #tpu.memory_space<vmem>>, vector<1x16xf32>,
        %parallel_loop3A_281 = arith.index_cast %parallel_loop3A_253 : i32 to index
        %parallel_loop3A_282 = arith.constant 48 : index
        %parallel_loop3A_283 = tpu.vector_load %arg7[%parallel_loop3A_281, %parallel_loop3A_282] {strides = array<i32>} : memref<200x128xf32, #tpu.memory_space<vmem>>, vector<1x16xf32>,
        %parallel_loop3A_284 = vector.shape_cast %parallel_loop3A_283 : vector<1x16xf32> to vector<16xf32>
        %parallel_loop3A_285 = arith.index_cast %parallel_loop3A_247 : i32 to index
        %parallel_loop3A_286 = arith.constant 48 : index
        %parallel_loop3A_287 = tpu.vector_load %arg8[%parallel_loop3A_285, %parallel_loop3A_286] {strides = array<i32>} : memref<80x128xf32, #tpu.memory_space<vmem>>, vector<1x16xf32>,
        %parallel_loop3A_288 = vector.shape_cast %parallel_loop3A_287 : vector<1x16xf32> to vector<16xf32>
        %parallel_loop3A_289 = vector.shape_cast %parallel_loop3A_284 : vector<16xf32> to vector<1x16xf32>
        tpu.vector_store %arg8[%parallel_loop3A_285, %parallel_loop3A_286], %parallel_loop3A_289 {add = true, strides = array<i32>} : memref<80x128xf32, #tpu.memory_space<vmem>>, vector<1x16xf32>,
        %parallel_loop3A_290 = arith.index_cast %parallel_loop3A_253 : i32 to index
        %parallel_loop3A_291 = arith.constant 64 : index
        %parallel_loop3A_292 = tpu.vector_load %arg7[%parallel_loop3A_290, %parallel_loop3A_291] {strides = array<i32>} : memref<200x128xf32, #tpu.memory_space<vmem>>, vector<1x16xf32>,
        %parallel_loop3A_293 = vector.shape_cast %parallel_loop3A_292 : vector<1x16xf32> to vector<16xf32>
        %parallel_loop3A_294 = arith.index_cast %parallel_loop3A_247 : i32 to index
        %parallel_loop3A_295 = arith.constant 64 : index
        %parallel_loop3A_296 = tpu.vector_load %arg8[%parallel_loop3A_294, %parallel_loop3A_295] {strides = array<i32>} : memref<80x128xf32, #tpu.memory_space<vmem>>, vector<1x16xf32>,
        %parallel_loop3A_297 = vector.shape_cast %parallel_loop3A_296 : vector<1x16xf32> to vector<16xf32>
        %parallel_loop3A_298 = vector.shape_cast %parallel_loop3A_293 : vector<16xf32> to vector<1x16xf32>
        tpu.vector_store %arg8[%parallel_loop3A_294, %parallel_loop3A_295], %parallel_loop3A_298 {add = true, strides = array<i32>} : memref<80x128xf32, #tpu.memory_space<vmem>>, vector<1x16xf32>,
        %parallel_loop3A_299 = arith.index_cast %parallel_loop3A_253 : i32 to index
        %parallel_loop3A_300 = arith.constant 80 : index
        %parallel_loop3A_301 = tpu.vector_load %arg7[%parallel_loop3A_299, %parallel_loop3A_300] {strides = array<i32>} : memref<200x128xf32, #tpu.memory_space<vmem>>, vector<1x16xf32>,
        %parallel_loop3A_302 = vector.shape_cast %parallel_loop3A_301 : vector<1x16xf32> to vector<16xf32>
        %parallel_loop3A_303 = arith.index_cast %parallel_loop3A_247 : i32 to index
        %parallel_loop3A_304 = arith.constant 80 : index
        %parallel_loop3A_305 = tpu.vector_load %arg8[%parallel_loop3A_303, %parallel_loop3A_304] {strides = array<i32>} : memref<80x128xf32, #tpu.memory_space<vmem>>, vector<1x16xf32>,
        %parallel_loop3A_306 = vector.shape_cast %parallel_loop3A_305 : vector<1x16xf32> to vector<16xf32>
        %parallel_loop3A_307 = vector.shape_cast %parallel_loop3A_302 : vector<16xf32> to vector<1x16xf32>
        tpu.vector_store %arg8[%parallel_loop3A_303, %parallel_loop3A_304], %parallel_loop3A_307 {add = true, strides = array<i32>} : memref<80x128xf32, #tpu.memory_space<vmem>>, vector<1x16xf32>,
        %parallel_loop3A_308 = arith.index_cast %parallel_loop3A_253 : i32 to index
        %parallel_loop3A_309 = arith.constant 96 : index
        %parallel_loop3A_310 = tpu.vector_load %arg7[%parallel_loop3A_308, %parallel_loop3A_309] {strides = array<i32>} : memref<200x128xf32, #tpu.memory_space<vmem>>, vector<1x16xf32>,
        %parallel_loop3A_311 = vector.shape_cast %parallel_loop3A_310 : vector<1x16xf32> to vector<16xf32>
        %parallel_loop3A_312 = arith.index_cast %parallel_loop3A_247 : i32 to index
        %parallel_loop3A_313 = arith.constant 96 : index
        %parallel_loop3A_314 = tpu.vector_load %arg8[%parallel_loop3A_312, %parallel_loop3A_313] {strides = array<i32>} : memref<80x128xf32, #tpu.memory_space<vmem>>, vector<1x16xf32>,
        %parallel_loop3A_315 = vector.shape_cast %parallel_loop3A_314 : vector<1x16xf32> to vector<16xf32>
        %parallel_loop3A_316 = vector.shape_cast %parallel_loop3A_311 : vector<16xf32> to vector<1x16xf32>
        tpu.vector_store %arg8[%parallel_loop3A_312, %parallel_loop3A_313], %parallel_loop3A_316 {add = true, strides = array<i32>} : memref<80x128xf32, #tpu.memory_space<vmem>>, vector<1x16xf32>,
        %parallel_loop3A_317 = arith.index_cast %parallel_loop3A_253 : i32 to index
        %parallel_loop3A_318 = arith.constant 112 : index
        %parallel_loop3A_319 = tpu.vector_load %arg7[%parallel_loop3A_317, %parallel_loop3A_318] {strides = array<i32>} : memref<200x128xf32, #tpu.memory_space<vmem>>, vector<1x16xf32>,
        %parallel_loop3A_320 = vector.shape_cast %parallel_loop3A_319 : vector<1x16xf32> to vector<16xf32>
        %parallel_loop3A_321 = arith.index_cast %parallel_loop3A_247 : i32 to index
        %parallel_loop3A_322 = arith.constant 112 : index
        %parallel_loop3A_323 = tpu.vector_load %arg8[%parallel_loop3A_321, %parallel_loop3A_322] {strides = array<i32>} : memref<80x128xf32, #tpu.memory_space<vmem>>, vector<1x16xf32>,
        %parallel_loop3A_324 = vector.shape_cast %parallel_loop3A_323 : vector<1x16xf32> to vector<16xf32>
        %parallel_loop3A_325 = vector.shape_cast %parallel_loop3A_320 : vector<16xf32> to vector<1x16xf32>
        tpu.vector_store %arg8[%parallel_loop3A_321, %parallel_loop3A_322], %parallel_loop3A_325 {add = true, strides = array<i32>} : memref<80x128xf32, #tpu.memory_space<vmem>>, vector<1x16xf32>,
      } {sc.loop_unroll_factor = 4 : i64, sc.parallel_access}
      %mul3A_101 = arith.constant 80 : i32
      %mul3A_102 = arith.muli %add3A_83, %mul3A_101 : i32
      %add3A_103 = arith.addi %mul3A_2, %mul3A_102 : i32
      %dma_start3A_104 = arith.constant 0 : i32
      %dma_start3A_105 = arith.constant 0 : i32
      %dma_start3A_106 = tpu.memref_slice %arg5[%add3A_103, %dma_start3A_105] : memref<204800x128xf32, #tpu.memory_space<hbm>> -> memref<80x128xf32, #tpu.memory_space<hbm>>
      %dma_start3A_107 = tpu.memref_slice %arg14[%dma_start3A_104] : memref<5x!tpu.dma_semaphore, #tpu.memory_space<semaphore_mem>> -> memref<1x!tpu.dma_semaphore, #tpu.memory_space<semaphore_mem>>
      %dma_start3A_108 = tpu.memref_squeeze %dma_start3A_107 : memref<1x!tpu.dma_semaphore, #tpu.memory_space<semaphore_mem>> -> memref<!tpu.dma_semaphore, #tpu.memory_space<semaphore_mem>>
      %dma_start3A_109 = arith.constant 0 : i32
      %dma_start3A_110 = tpu.memref_slice %arg5[%add3A_103, %dma_start3A_109] : memref<204800x128xf32, #tpu.memory_space<hbm>> -> memref<80x128xf32, #tpu.memory_space<hbm>>
      tpu.enqueue_dma source(%arg8 : memref<80x128xf32, #tpu.memory_space<vmem>>) target(%dma_start3A_110 : memref<80x128xf32, #tpu.memory_space<hbm>>) target_semaphore(%dma_start3A_108 : memref<!tpu.dma_semaphore, #tpu.memory_space<semaphore_mem>>)
      %add3A_111 = arith.constant 1 : i32
      %add3A_112 = arith.addi %mul3A_81, %add3A_111 : i32
      %add3A_113 = arith.constant 2 : i32
      %add3A_114 = arith.addi %add3A_112, %add3A_113 : i32
      %lt3A_115 = arith.constant 80 : i32
      %lt3A_116 = arith.cmpi slt, %add3A_114, %lt3A_115 : i32
      %convert_element_type3A_117 = arith.extui %lt3A_116 : i1 to i32
      %cond3A_118 = arith.constant 0 : i32
      %cond3A_119 = arith.cmpi ne, %convert_element_type3A_117, %cond3A_118 : i32
      scf.if %cond3A_119 {
        %add3A_247 = arith.constant 2 : i32
        %add3A_248 = arith.addi %add3A_112, %add3A_247 : i32
        %ge3A = arith.constant 5 : i32
        %ge3A_249 = arith.cmpi sge, %add3A_248, %ge3A : i32
        %convert_element_type3A_250 = arith.extui %ge3A_249 : i1 to i32
        %cond3A_251 = arith.constant 0 : i32
        %cond3A_252 = arith.cmpi ne, %convert_element_type3A_250, %cond3A_251 : i32
        scf.if %cond3A_252 {
          %dma_wait3A_264 = arith.constant 3 : i32
          %dma_wait3A_265 = arith.constant 0 : i32
          %dma_wait3A_266 = arith.constant 0 : i32
          %dma_wait3A_267 = tpu.memref_slice %arg5[%dma_wait3A_265, %dma_wait3A_266] : memref<204800x128xf32, #tpu.memory_space<hbm>> -> memref<80x128xf32, #tpu.memory_space<hbm>>
          %dma_wait3A_268 = tpu.memref_slice %arg14[%dma_wait3A_264] : memref<5x!tpu.dma_semaphore, #tpu.memory_space<semaphore_mem>> -> memref<1x!tpu.dma_semaphore, #tpu.memory_space<semaphore_mem>>
          %dma_wait3A_269 = tpu.memref_squeeze %dma_wait3A_268 : memref<1x!tpu.dma_semaphore, #tpu.memory_space<semaphore_mem>> -> memref<!tpu.dma_semaphore, #tpu.memory_space<semaphore_mem>>
          %dma_wait3A_270 = arith.constant 0 : i32
          %dma_wait3A_271 = arith.constant 0 : i32
          %dma_wait3A_272 = tpu.memref_slice %arg5[%dma_wait3A_270, %dma_wait3A_271] : memref<204800x128xf32, #tpu.memory_space<hbm>> -> memref<80x128xf32, #tpu.memory_space<hbm>>
          tpu.wait_dma2 semaphore(%dma_wait3A_269 : memref<!tpu.dma_semaphore, #tpu.memory_space<semaphore_mem>>) src(%arg11 : memref<80x128xf32, #tpu.memory_space<vmem>>) dst(%dma_wait3A_272 : memref<80x128xf32, #tpu.memory_space<hbm>>)
        } else {
        }
        %add3A_253 = arith.constant 2 : i32
        %add3A_254 = arith.addi %add3A_112, %add3A_253 : i32
        %mul3A_255 = arith.constant 80 : i32
        %mul3A_256 = arith.muli %add3A_254, %mul3A_255 : i32
        %dma_start3A_257 = arith.constant 3 : i32
        %dma_start3A_258 = tpu.memref_slice %arg6[%mul3A_256] : memref<6400xi32, #tpu.memory_space<vmem>> -> memref<80xi32, #tpu.memory_space<vmem>>
        %dma_start3A_259 = arith.constant 0 : i32
        %dma_start3A_260 = arith.constant 0 : i32
        %dma_start3A_261 = tpu.memref_slice %arg3[%dma_start3A_259, %dma_start3A_260] : memref<100000x128xf32, #tpu.memory_space<hbm>> -> memref<100000x128xf32, #tpu.memory_space<hbm>>
        %dma_start3A_262 = tpu.memref_slice %arg13[%dma_start3A_257] : memref<5x!tpu.dma_semaphore, #tpu.memory_space<semaphore_mem>> -> memref<1x!tpu.dma_semaphore, #tpu.memory_space<semaphore_mem>>
        %dma_start3A_263 = tpu.memref_squeeze %dma_start3A_262 : memref<1x!tpu.dma_semaphore, #tpu.memory_space<semaphore_mem>> -> memref<!tpu.dma_semaphore, #tpu.memory_space<semaphore_mem>>
        tpu.enqueue_indirect_dma source(%dma_start3A_261 : memref<100000x128xf32, #tpu.memory_space<hbm>>) target(%arg11 : memref<80x128xf32, #tpu.memory_space<vmem>>) offsets(%dma_start3A_258 : memref<80xi32, #tpu.memory_space<vmem>>) semaphore(%dma_start3A_263 : memref<!tpu.dma_semaphore, #tpu.memory_space<semaphore_mem>>)
      } else {
      }
      %dma_wait3A_120 = arith.constant 1 : i32
      %dma_wait3A_121 = arith.constant 0 : i32
      %dma_wait3A_122 = tpu.memref_slice %arg6[%dma_wait3A_121] : memref<6400xi32, #tpu.memory_space<vmem>> -> memref<80xi32, #tpu.memory_space<vmem>>
      %dma_wait3A_123 = arith.constant 0 : i32
      %dma_wait3A_124 = arith.constant 0 : i32
      %dma_wait3A_125 = tpu.memref_slice %arg3[%dma_wait3A_123, %dma_wait3A_124] : memref<100000x128xf32, #tpu.memory_space<hbm>> -> memref<100000x128xf32, #tpu.memory_space<hbm>>
      %dma_wait3A_126 = tpu.memref_slice %arg13[%dma_wait3A_120] : memref<5x!tpu.dma_semaphore, #tpu.memory_space<semaphore_mem>> -> memref<1x!tpu.dma_semaphore, #tpu.memory_space<semaphore_mem>>
      %dma_wait3A_127 = tpu.memref_squeeze %dma_wait3A_126 : memref<1x!tpu.dma_semaphore, #tpu.memory_space<semaphore_mem>> -> memref<!tpu.dma_semaphore, #tpu.memory_space<semaphore_mem>>
      tpu.wait_indirect_dma semaphore(%dma_wait3A_127 : memref<!tpu.dma_semaphore, #tpu.memory_space<semaphore_mem>>) src(%dma_wait3A_125 : memref<100000x128xf32, #tpu.memory_space<hbm>>) dst(%arg9 : memref<80x128xf32, #tpu.memory_space<vmem>>)
      %mul3A_128 = arith.constant 80 : i32
      %mul3A_129 = arith.muli %add3A_112, %mul3A_128 : i32
      %rem3A_130 = arith.constant 200 : i32
      %rem3A_131 = arith.remsi %mul3A_129, %rem3A_130 : i32
      %parallel_loop3A_132 = arith.constant 0 : i32
      %parallel_loop3A_133 = arith.constant 80 : i32
      %parallel_loop3A_134 = arith.constant 1 : i32
      scf.for %parallel_loop3A_247 = %parallel_loop3A_132 to %parallel_loop3A_133 step %parallel_loop3A_134  : i32 {
        %parallel_loop3A_248 = arith.addi %rem3A_131, %parallel_loop3A_247 : i32
        %parallel_loop3A_249 = arith.constant 200 : i32
        %parallel_loop3A_250 = arith.cmpi sge, %parallel_loop3A_248, %parallel_loop3A_249 : i32
        %parallel_loop3A_251 = arith.constant 200 : i32
        %parallel_loop3A_252 = arith.subi %parallel_loop3A_248, %parallel_loop3A_251 : i32
        %parallel_loop3A_253 = arith.select %parallel_loop3A_250, %parallel_loop3A_252, %parallel_loop3A_248 : i32
        %parallel_loop3A_254 = arith.index_cast %parallel_loop3A_253 : i32 to index
        %parallel_loop3A_255 = arith.constant 0 : index
        %parallel_loop3A_256 = tpu.vector_load %arg7[%parallel_loop3A_254, %parallel_loop3A_255] {strides = array<i32>} : memref<200x128xf32, #tpu.memory_space<vmem>>, vector<1x16xf32>,
        %parallel_loop3A_257 = vector.shape_cast %parallel_loop3A_256 : vector<1x16xf32> to vector<16xf32>
        %parallel_loop3A_258 = arith.index_cast %parallel_loop3A_247 : i32 to index
        %parallel_loop3A_259 = arith.constant 0 : index
        %parallel_loop3A_260 = tpu.vector_load %arg9[%parallel_loop3A_258, %parallel_loop3A_259] {strides = array<i32>} : memref<80x128xf32, #tpu.memory_space<vmem>>, vector<1x16xf32>,
        %parallel_loop3A_261 = vector.shape_cast %parallel_loop3A_260 : vector<1x16xf32> to vector<16xf32>
        %parallel_loop3A_262 = vector.shape_cast %parallel_loop3A_257 : vector<16xf32> to vector<1x16xf32>
        tpu.vector_store %arg9[%parallel_loop3A_258, %parallel_loop3A_259], %parallel_loop3A_262 {add = true, strides = array<i32>} : memref<80x128xf32, #tpu.memory_space<vmem>>, vector<1x16xf32>,
        %parallel_loop3A_263 = arith.index_cast %parallel_loop3A_253 : i32 to index
        %parallel_loop3A_264 = arith.constant 16 : index
        %parallel_loop3A_265 = tpu.vector_load %arg7[%parallel_loop3A_263, %parallel_loop3A_264] {strides = array<i32>} : memref<200x128xf32, #tpu.memory_space<vmem>>, vector<1x16xf32>,
        %parallel_loop3A_266 = vector.shape_cast %parallel_loop3A_265 : vector<1x16xf32> to vector<16xf32>
        %parallel_loop3A_267 = arith.index_cast %parallel_loop3A_247 : i32 to index
        %parallel_loop3A_268 = arith.constant 16 : index
        %parallel_loop3A_269 = tpu.vector_load %arg9[%parallel_loop3A_267, %parallel_loop3A_268] {strides = array<i32>} : memref<80x128xf32, #tpu.memory_space<vmem>>, vector<1x16xf32>,
        %parallel_loop3A_270 = vector.shape_cast %parallel_loop3A_269 : vector<1x16xf32> to vector<16xf32>
        %parallel_loop3A_271 = vector.shape_cast %parallel_loop3A_266 : vector<16xf32> to vector<1x16xf32>
        tpu.vector_store %arg9[%parallel_loop3A_267, %parallel_loop3A_268], %parallel_loop3A_271 {add = true, strides = array<i32>} : memref<80x128xf32, #tpu.memory_space<vmem>>, vector<1x16xf32>,
        %parallel_loop3A_272 = arith.index_cast %parallel_loop3A_253 : i32 to index
        %parallel_loop3A_273 = arith.constant 32 : index
        %parallel_loop3A_274 = tpu.vector_load %arg7[%parallel_loop3A_272, %parallel_loop3A_273] {strides = array<i32>} : memref<200x128xf32, #tpu.memory_space<vmem>>, vector<1x16xf32>,
        %parallel_loop3A_275 = vector.shape_cast %parallel_loop3A_274 : vector<1x16xf32> to vector<16xf32>
        %parallel_loop3A_276 = arith.index_cast %parallel_loop3A_247 : i32 to index
        %parallel_loop3A_277 = arith.constant 32 : index
        %parallel_loop3A_278 = tpu.vector_load %arg9[%parallel_loop3A_276, %parallel_loop3A_277] {strides = array<i32>} : memref<80x128xf32, #tpu.memory_space<vmem>>, vector<1x16xf32>,
        %parallel_loop3A_279 = vector.shape_cast %parallel_loop3A_278 : vector<1x16xf32> to vector<16xf32>
        %parallel_loop3A_280 = vector.shape_cast %parallel_loop3A_275 : vector<16xf32> to vector<1x16xf32>
        tpu.vector_store %arg9[%parallel_loop3A_276, %parallel_loop3A_277], %parallel_loop3A_280 {add = true, strides = array<i32>} : memref<80x128xf32, #tpu.memory_space<vmem>>, vector<1x16xf32>,
        %parallel_loop3A_281 = arith.index_cast %parallel_loop3A_253 : i32 to index
        %parallel_loop3A_282 = arith.constant 48 : index
        %parallel_loop3A_283 = tpu.vector_load %arg7[%parallel_loop3A_281, %parallel_loop3A_282] {strides = array<i32>} : memref<200x128xf32, #tpu.memory_space<vmem>>, vector<1x16xf32>,
        %parallel_loop3A_284 = vector.shape_cast %parallel_loop3A_283 : vector<1x16xf32> to vector<16xf32>
        %parallel_loop3A_285 = arith.index_cast %parallel_loop3A_247 : i32 to index
        %parallel_loop3A_286 = arith.constant 48 : index
        %parallel_loop3A_287 = tpu.vector_load %arg9[%parallel_loop3A_285, %parallel_loop3A_286] {strides = array<i32>} : memref<80x128xf32, #tpu.memory_space<vmem>>, vector<1x16xf32>,
        %parallel_loop3A_288 = vector.shape_cast %parallel_loop3A_287 : vector<1x16xf32> to vector<16xf32>
        %parallel_loop3A_289 = vector.shape_cast %parallel_loop3A_284 : vector<16xf32> to vector<1x16xf32>
        tpu.vector_store %arg9[%parallel_loop3A_285, %parallel_loop3A_286], %parallel_loop3A_289 {add = true, strides = array<i32>} : memref<80x128xf32, #tpu.memory_space<vmem>>, vector<1x16xf32>,
        %parallel_loop3A_290 = arith.index_cast %parallel_loop3A_253 : i32 to index
        %parallel_loop3A_291 = arith.constant 64 : index
        %parallel_loop3A_292 = tpu.vector_load %arg7[%parallel_loop3A_290, %parallel_loop3A_291] {strides = array<i32>} : memref<200x128xf32, #tpu.memory_space<vmem>>, vector<1x16xf32>,
        %parallel_loop3A_293 = vector.shape_cast %parallel_loop3A_292 : vector<1x16xf32> to vector<16xf32>
        %parallel_loop3A_294 = arith.index_cast %parallel_loop3A_247 : i32 to index
        %parallel_loop3A_295 = arith.constant 64 : index
        %parallel_loop3A_296 = tpu.vector_load %arg9[%parallel_loop3A_294, %parallel_loop3A_295] {strides = array<i32>} : memref<80x128xf32, #tpu.memory_space<vmem>>, vector<1x16xf32>,
        %parallel_loop3A_297 = vector.shape_cast %parallel_loop3A_296 : vector<1x16xf32> to vector<16xf32>
        %parallel_loop3A_298 = vector.shape_cast %parallel_loop3A_293 : vector<16xf32> to vector<1x16xf32>
        tpu.vector_store %arg9[%parallel_loop3A_294, %parallel_loop3A_295], %parallel_loop3A_298 {add = true, strides = array<i32>} : memref<80x128xf32, #tpu.memory_space<vmem>>, vector<1x16xf32>,
        %parallel_loop3A_299 = arith.index_cast %parallel_loop3A_253 : i32 to index
        %parallel_loop3A_300 = arith.constant 80 : index
        %parallel_loop3A_301 = tpu.vector_load %arg7[%parallel_loop3A_299, %parallel_loop3A_300] {strides = array<i32>} : memref<200x128xf32, #tpu.memory_space<vmem>>, vector<1x16xf32>,
        %parallel_loop3A_302 = vector.shape_cast %parallel_loop3A_301 : vector<1x16xf32> to vector<16xf32>
        %parallel_loop3A_303 = arith.index_cast %parallel_loop3A_247 : i32 to index
        %parallel_loop3A_304 = arith.constant 80 : index
        %parallel_loop3A_305 = tpu.vector_load %arg9[%parallel_loop3A_303, %parallel_loop3A_304] {strides = array<i32>} : memref<80x128xf32, #tpu.memory_space<vmem>>, vector<1x16xf32>,
        %parallel_loop3A_306 = vector.shape_cast %parallel_loop3A_305 : vector<1x16xf32> to vector<16xf32>
        %parallel_loop3A_307 = vector.shape_cast %parallel_loop3A_302 : vector<16xf32> to vector<1x16xf32>
        tpu.vector_store %arg9[%parallel_loop3A_303, %parallel_loop3A_304], %parallel_loop3A_307 {add = true, strides = array<i32>} : memref<80x128xf32, #tpu.memory_space<vmem>>, vector<1x16xf32>,
        %parallel_loop3A_308 = arith.index_cast %parallel_loop3A_253 : i32 to index
        %parallel_loop3A_309 = arith.constant 96 : index
        %parallel_loop3A_310 = tpu.vector_load %arg7[%parallel_loop3A_308, %parallel_loop3A_309] {strides = array<i32>} : memref<200x128xf32, #tpu.memory_space<vmem>>, vector<1x16xf32>,
        %parallel_loop3A_311 = vector.shape_cast %parallel_loop3A_310 : vector<1x16xf32> to vector<16xf32>
        %parallel_loop3A_312 = arith.index_cast %parallel_loop3A_247 : i32 to index
        %parallel_loop3A_313 = arith.constant 96 : index
        %parallel_loop3A_314 = tpu.vector_load %arg9[%parallel_loop3A_312, %parallel_loop3A_313] {strides = array<i32>} : memref<80x128xf32, #tpu.memory_space<vmem>>, vector<1x16xf32>,
        %parallel_loop3A_315 = vector.shape_cast %parallel_loop3A_314 : vector<1x16xf32> to vector<16xf32>
        %parallel_loop3A_316 = vector.shape_cast %parallel_loop3A_311 : vector<16xf32> to vector<1x16xf32>
        tpu.vector_store %arg9[%parallel_loop3A_312, %parallel_loop3A_313], %parallel_loop3A_316 {add = true, strides = array<i32>} : memref<80x128xf32, #tpu.memory_space<vmem>>, vector<1x16xf32>,
        %parallel_loop3A_317 = arith.index_cast %parallel_loop3A_253 : i32 to index
        %parallel_loop3A_318 = arith.constant 112 : index
        %parallel_loop3A_319 = tpu.vector_load %arg7[%parallel_loop3A_317, %parallel_loop3A_318] {strides = array<i32>} : memref<200x128xf32, #tpu.memory_space<vmem>>, vector<1x16xf32>,
        %parallel_loop3A_320 = vector.shape_cast %parallel_loop3A_319 : vector<1x16xf32> to vector<16xf32>
        %parallel_loop3A_321 = arith.index_cast %parallel_loop3A_247 : i32 to index
        %parallel_loop3A_322 = arith.constant 112 : index
        %parallel_loop3A_323 = tpu.vector_load %arg9[%parallel_loop3A_321, %parallel_loop3A_322] {strides = array<i32>} : memref<80x128xf32, #tpu.memory_space<vmem>>, vector<1x16xf32>,
        %parallel_loop3A_324 = vector.shape_cast %parallel_loop3A_323 : vector<1x16xf32> to vector<16xf32>
        %parallel_loop3A_325 = vector.shape_cast %parallel_loop3A_320 : vector<16xf32> to vector<1x16xf32>
        tpu.vector_store %arg9[%parallel_loop3A_321, %parallel_loop3A_322], %parallel_loop3A_325 {add = true, strides = array<i32>} : memref<80x128xf32, #tpu.memory_space<vmem>>, vector<1x16xf32>,
      } {sc.loop_unroll_factor = 4 : i64, sc.parallel_access}
      %mul3A_135 = arith.constant 80 : i32
      %mul3A_136 = arith.muli %add3A_112, %mul3A_135 : i32
      %add3A_137 = arith.addi %mul3A_2, %mul3A_136 : i32
      %dma_start3A_138 = arith.constant 1 : i32
      %dma_start3A_139 = arith.constant 0 : i32
      %dma_start3A_140 = tpu.memref_slice %arg5[%add3A_137, %dma_start3A_139] : memref<204800x128xf32, #tpu.memory_space<hbm>> -> memref<80x128xf32, #tpu.memory_space<hbm>>
      %dma_start3A_141 = tpu.memref_slice %arg14[%dma_start3A_138] : memref<5x!tpu.dma_semaphore, #tpu.memory_space<semaphore_mem>> -> memref<1x!tpu.dma_semaphore, #tpu.memory_space<semaphore_mem>>
      %dma_start3A_142 = tpu.memref_squeeze %dma_start3A_141 : memref<1x!tpu.dma_semaphore, #tpu.memory_space<semaphore_mem>> -> memref<!tpu.dma_semaphore, #tpu.memory_space<semaphore_mem>>
      %dma_start3A_143 = arith.constant 0 : i32
      %dma_start3A_144 = tpu.memref_slice %arg5[%add3A_137, %dma_start3A_143] : memref<204800x128xf32, #tpu.memory_space<hbm>> -> memref<80x128xf32, #tpu.memory_space<hbm>>
      tpu.enqueue_dma source(%arg9 : memref<80x128xf32, #tpu.memory_space<vmem>>) target(%dma_start3A_144 : memref<80x128xf32, #tpu.memory_space<hbm>>) target_semaphore(%dma_start3A_142 : memref<!tpu.dma_semaphore, #tpu.memory_space<semaphore_mem>>)
      %add3A_145 = arith.constant 2 : i32
      %add3A_146 = arith.addi %mul3A_81, %add3A_145 : i32
      %add3A_147 = arith.constant 2 : i32
      %add3A_148 = arith.addi %add3A_146, %add3A_147 : i32
      %lt3A_149 = arith.constant 80 : i32
      %lt3A_150 = arith.cmpi slt, %add3A_148, %lt3A_149 : i32
      %convert_element_type3A_151 = arith.extui %lt3A_150 : i1 to i32
      %cond3A_152 = arith.constant 0 : i32
      %cond3A_153 = arith.cmpi ne, %convert_element_type3A_151, %cond3A_152 : i32
      scf.if %cond3A_153 {
        %add3A_247 = arith.constant 2 : i32
        %add3A_248 = arith.addi %add3A_146, %add3A_247 : i32
        %ge3A = arith.constant 5 : i32
        %ge3A_249 = arith.cmpi sge, %add3A_248, %ge3A : i32
        %convert_element_type3A_250 = arith.extui %ge3A_249 : i1 to i32
        %cond3A_251 = arith.constant 0 : i32
        %cond3A_252 = arith.cmpi ne, %convert_element_type3A_250, %cond3A_251 : i32
        scf.if %cond3A_252 {
          %dma_wait3A_264 = arith.constant 4 : i32
          %dma_wait3A_265 = arith.constant 0 : i32
          %dma_wait3A_266 = arith.constant 0 : i32
          %dma_wait3A_267 = tpu.memref_slice %arg5[%dma_wait3A_265, %dma_wait3A_266] : memref<204800x128xf32, #tpu.memory_space<hbm>> -> memref<80x128xf32, #tpu.memory_space<hbm>>
          %dma_wait3A_268 = tpu.memref_slice %arg14[%dma_wait3A_264] : memref<5x!tpu.dma_semaphore, #tpu.memory_space<semaphore_mem>> -> memref<1x!tpu.dma_semaphore, #tpu.memory_space<semaphore_mem>>
          %dma_wait3A_269 = tpu.memref_squeeze %dma_wait3A_268 : memref<1x!tpu.dma_semaphore, #tpu.memory_space<semaphore_mem>> -> memref<!tpu.dma_semaphore, #tpu.memory_space<semaphore_mem>>
          %dma_wait3A_270 = arith.constant 0 : i32
          %dma_wait3A_271 = arith.constant 0 : i32
          %dma_wait3A_272 = tpu.memref_slice %arg5[%dma_wait3A_270, %dma_wait3A_271] : memref<204800x128xf32, #tpu.memory_space<hbm>> -> memref<80x128xf32, #tpu.memory_space<hbm>>
          tpu.wait_dma2 semaphore(%dma_wait3A_269 : memref<!tpu.dma_semaphore, #tpu.memory_space<semaphore_mem>>) src(%arg12 : memref<80x128xf32, #tpu.memory_space<vmem>>) dst(%dma_wait3A_272 : memref<80x128xf32, #tpu.memory_space<hbm>>)
        } else {
        }
        %add3A_253 = arith.constant 2 : i32
        %add3A_254 = arith.addi %add3A_146, %add3A_253 : i32
        %mul3A_255 = arith.constant 80 : i32
        %mul3A_256 = arith.muli %add3A_254, %mul3A_255 : i32
        %dma_start3A_257 = arith.constant 4 : i32
        %dma_start3A_258 = tpu.memref_slice %arg6[%mul3A_256] : memref<6400xi32, #tpu.memory_space<vmem>> -> memref<80xi32, #tpu.memory_space<vmem>>
        %dma_start3A_259 = arith.constant 0 : i32
        %dma_start3A_260 = arith.constant 0 : i32
        %dma_start3A_261 = tpu.memref_slice %arg3[%dma_start3A_259, %dma_start3A_260] : memref<100000x128xf32, #tpu.memory_space<hbm>> -> memref<100000x128xf32, #tpu.memory_space<hbm>>
        %dma_start3A_262 = tpu.memref_slice %arg13[%dma_start3A_257] : memref<5x!tpu.dma_semaphore, #tpu.memory_space<semaphore_mem>> -> memref<1x!tpu.dma_semaphore, #tpu.memory_space<semaphore_mem>>
        %dma_start3A_263 = tpu.memref_squeeze %dma_start3A_262 : memref<1x!tpu.dma_semaphore, #tpu.memory_space<semaphore_mem>> -> memref<!tpu.dma_semaphore, #tpu.memory_space<semaphore_mem>>
        tpu.enqueue_indirect_dma source(%dma_start3A_261 : memref<100000x128xf32, #tpu.memory_space<hbm>>) target(%arg12 : memref<80x128xf32, #tpu.memory_space<vmem>>) offsets(%dma_start3A_258 : memref<80xi32, #tpu.memory_space<vmem>>) semaphore(%dma_start3A_263 : memref<!tpu.dma_semaphore, #tpu.memory_space<semaphore_mem>>)
      } else {
      }
      %dma_wait3A_154 = arith.constant 2 : i32
      %dma_wait3A_155 = arith.constant 0 : i32
      %dma_wait3A_156 = tpu.memref_slice %arg6[%dma_wait3A_155] : memref<6400xi32, #tpu.memory_space<vmem>> -> memref<80xi32, #tpu.memory_space<vmem>>
      %dma_wait3A_157 = arith.constant 0 : i32
      %dma_wait3A_158 = arith.constant 0 : i32
      %dma_wait3A_159 = tpu.memref_slice %arg3[%dma_wait3A_157, %dma_wait3A_158] : memref<100000x128xf32, #tpu.memory_space<hbm>> -> memref<100000x128xf32, #tpu.memory_space<hbm>>
      %dma_wait3A_160 = tpu.memref_slice %arg13[%dma_wait3A_154] : memref<5x!tpu.dma_semaphore, #tpu.memory_space<semaphore_mem>> -> memref<1x!tpu.dma_semaphore, #tpu.memory_space<semaphore_mem>>
      %dma_wait3A_161 = tpu.memref_squeeze %dma_wait3A_160 : memref<1x!tpu.dma_semaphore, #tpu.memory_space<semaphore_mem>> -> memref<!tpu.dma_semaphore, #tpu.memory_space<semaphore_mem>>
      tpu.wait_indirect_dma semaphore(%dma_wait3A_161 : memref<!tpu.dma_semaphore, #tpu.memory_space<semaphore_mem>>) src(%dma_wait3A_159 : memref<100000x128xf32, #tpu.memory_space<hbm>>) dst(%arg10 : memref<80x128xf32, #tpu.memory_space<vmem>>)
      %mul3A_162 = arith.constant 80 : i32
      %mul3A_163 = arith.muli %add3A_146, %mul3A_162 : i32
      %rem3A_164 = arith.constant 200 : i32
      %rem3A_165 = arith.remsi %mul3A_163, %rem3A_164 : i32
      %parallel_loop3A_166 = arith.constant 0 : i32
      %parallel_loop3A_167 = arith.constant 80 : i32
      %parallel_loop3A_168 = arith.constant 1 : i32
      scf.for %parallel_loop3A_247 = %parallel_loop3A_166 to %parallel_loop3A_167 step %parallel_loop3A_168  : i32 {
        %parallel_loop3A_248 = arith.addi %rem3A_165, %parallel_loop3A_247 : i32
        %parallel_loop3A_249 = arith.constant 200 : i32
        %parallel_loop3A_250 = arith.cmpi sge, %parallel_loop3A_248, %parallel_loop3A_249 : i32
        %parallel_loop3A_251 = arith.constant 200 : i32
        %parallel_loop3A_252 = arith.subi %parallel_loop3A_248, %parallel_loop3A_251 : i32
        %parallel_loop3A_253 = arith.select %parallel_loop3A_250, %parallel_loop3A_252, %parallel_loop3A_248 : i32
        %parallel_loop3A_254 = arith.index_cast %parallel_loop3A_253 : i32 to index
        %parallel_loop3A_255 = arith.constant 0 : index
        %parallel_loop3A_256 = tpu.vector_load %arg7[%parallel_loop3A_254, %parallel_loop3A_255] {strides = array<i32>} : memref<200x128xf32, #tpu.memory_space<vmem>>, vector<1x16xf32>,
        %parallel_loop3A_257 = vector.shape_cast %parallel_loop3A_256 : vector<1x16xf32> to vector<16xf32>
        %parallel_loop3A_258 = arith.index_cast %parallel_loop3A_247 : i32 to index
        %parallel_loop3A_259 = arith.constant 0 : index
        %parallel_loop3A_260 = tpu.vector_load %arg10[%parallel_loop3A_258, %parallel_loop3A_259] {strides = array<i32>} : memref<80x128xf32, #tpu.memory_space<vmem>>, vector<1x16xf32>,
        %parallel_loop3A_261 = vector.shape_cast %parallel_loop3A_260 : vector<1x16xf32> to vector<16xf32>
        %parallel_loop3A_262 = vector.shape_cast %parallel_loop3A_257 : vector<16xf32> to vector<1x16xf32>
        tpu.vector_store %arg10[%parallel_loop3A_258, %parallel_loop3A_259], %parallel_loop3A_262 {add = true, strides = array<i32>} : memref<80x128xf32, #tpu.memory_space<vmem>>, vector<1x16xf32>,
        %parallel_loop3A_263 = arith.index_cast %parallel_loop3A_253 : i32 to index
        %parallel_loop3A_264 = arith.constant 16 : index
        %parallel_loop3A_265 = tpu.vector_load %arg7[%parallel_loop3A_263, %parallel_loop3A_264] {strides = array<i32>} : memref<200x128xf32, #tpu.memory_space<vmem>>, vector<1x16xf32>,
        %parallel_loop3A_266 = vector.shape_cast %parallel_loop3A_265 : vector<1x16xf32> to vector<16xf32>
        %parallel_loop3A_267 = arith.index_cast %parallel_loop3A_247 : i32 to index
        %parallel_loop3A_268 = arith.constant 16 : index
        %parallel_loop3A_269 = tpu.vector_load %arg10[%parallel_loop3A_267, %parallel_loop3A_268] {strides = array<i32>} : memref<80x128xf32, #tpu.memory_space<vmem>>, vector<1x16xf32>,
        %parallel_loop3A_270 = vector.shape_cast %parallel_loop3A_269 : vector<1x16xf32> to vector<16xf32>
        %parallel_loop3A_271 = vector.shape_cast %parallel_loop3A_266 : vector<16xf32> to vector<1x16xf32>
        tpu.vector_store %arg10[%parallel_loop3A_267, %parallel_loop3A_268], %parallel_loop3A_271 {add = true, strides = array<i32>} : memref<80x128xf32, #tpu.memory_space<vmem>>, vector<1x16xf32>,
        %parallel_loop3A_272 = arith.index_cast %parallel_loop3A_253 : i32 to index
        %parallel_loop3A_273 = arith.constant 32 : index
        %parallel_loop3A_274 = tpu.vector_load %arg7[%parallel_loop3A_272, %parallel_loop3A_273] {strides = array<i32>} : memref<200x128xf32, #tpu.memory_space<vmem>>, vector<1x16xf32>,
        %parallel_loop3A_275 = vector.shape_cast %parallel_loop3A_274 : vector<1x16xf32> to vector<16xf32>
        %parallel_loop3A_276 = arith.index_cast %parallel_loop3A_247 : i32 to index
        %parallel_loop3A_277 = arith.constant 32 : index
        %parallel_loop3A_278 = tpu.vector_load %arg10[%parallel_loop3A_276, %parallel_loop3A_277] {strides = array<i32>} : memref<80x128xf32, #tpu.memory_space<vmem>>, vector<1x16xf32>,
        %parallel_loop3A_279 = vector.shape_cast %parallel_loop3A_278 : vector<1x16xf32> to vector<16xf32>
        %parallel_loop3A_280 = vector.shape_cast %parallel_loop3A_275 : vector<16xf32> to vector<1x16xf32>
        tpu.vector_store %arg10[%parallel_loop3A_276, %parallel_loop3A_277], %parallel_loop3A_280 {add = true, strides = array<i32>} : memref<80x128xf32, #tpu.memory_space<vmem>>, vector<1x16xf32>,
        %parallel_loop3A_281 = arith.index_cast %parallel_loop3A_253 : i32 to index
        %parallel_loop3A_282 = arith.constant 48 : index
        %parallel_loop3A_283 = tpu.vector_load %arg7[%parallel_loop3A_281, %parallel_loop3A_282] {strides = array<i32>} : memref<200x128xf32, #tpu.memory_space<vmem>>, vector<1x16xf32>,
        %parallel_loop3A_284 = vector.shape_cast %parallel_loop3A_283 : vector<1x16xf32> to vector<16xf32>
        %parallel_loop3A_285 = arith.index_cast %parallel_loop3A_247 : i32 to index
        %parallel_loop3A_286 = arith.constant 48 : index
        %parallel_loop3A_287 = tpu.vector_load %arg10[%parallel_loop3A_285, %parallel_loop3A_286] {strides = array<i32>} : memref<80x128xf32, #tpu.memory_space<vmem>>, vector<1x16xf32>,
        %parallel_loop3A_288 = vector.shape_cast %parallel_loop3A_287 : vector<1x16xf32> to vector<16xf32>
        %parallel_loop3A_289 = vector.shape_cast %parallel_loop3A_284 : vector<16xf32> to vector<1x16xf32>
        tpu.vector_store %arg10[%parallel_loop3A_285, %parallel_loop3A_286], %parallel_loop3A_289 {add = true, strides = array<i32>} : memref<80x128xf32, #tpu.memory_space<vmem>>, vector<1x16xf32>,
        %parallel_loop3A_290 = arith.index_cast %parallel_loop3A_253 : i32 to index
        %parallel_loop3A_291 = arith.constant 64 : index
        %parallel_loop3A_292 = tpu.vector_load %arg7[%parallel_loop3A_290, %parallel_loop3A_291] {strides = array<i32>} : memref<200x128xf32, #tpu.memory_space<vmem>>, vector<1x16xf32>,
        %parallel_loop3A_293 = vector.shape_cast %parallel_loop3A_292 : vector<1x16xf32> to vector<16xf32>
        %parallel_loop3A_294 = arith.index_cast %parallel_loop3A_247 : i32 to index
        %parallel_loop3A_295 = arith.constant 64 : index
        %parallel_loop3A_296 = tpu.vector_load %arg10[%parallel_loop3A_294, %parallel_loop3A_295] {strides = array<i32>} : memref<80x128xf32, #tpu.memory_space<vmem>>, vector<1x16xf32>,
        %parallel_loop3A_297 = vector.shape_cast %parallel_loop3A_296 : vector<1x16xf32> to vector<16xf32>
        %parallel_loop3A_298 = vector.shape_cast %parallel_loop3A_293 : vector<16xf32> to vector<1x16xf32>
        tpu.vector_store %arg10[%parallel_loop3A_294, %parallel_loop3A_295], %parallel_loop3A_298 {add = true, strides = array<i32>} : memref<80x128xf32, #tpu.memory_space<vmem>>, vector<1x16xf32>,
        %parallel_loop3A_299 = arith.index_cast %parallel_loop3A_253 : i32 to index
        %parallel_loop3A_300 = arith.constant 80 : index
        %parallel_loop3A_301 = tpu.vector_load %arg7[%parallel_loop3A_299, %parallel_loop3A_300] {strides = array<i32>} : memref<200x128xf32, #tpu.memory_space<vmem>>, vector<1x16xf32>,
        %parallel_loop3A_302 = vector.shape_cast %parallel_loop3A_301 : vector<1x16xf32> to vector<16xf32>
        %parallel_loop3A_303 = arith.index_cast %parallel_loop3A_247 : i32 to index
        %parallel_loop3A_304 = arith.constant 80 : index
        %parallel_loop3A_305 = tpu.vector_load %arg10[%parallel_loop3A_303, %parallel_loop3A_304] {strides = array<i32>} : memref<80x128xf32, #tpu.memory_space<vmem>>, vector<1x16xf32>,
        %parallel_loop3A_306 = vector.shape_cast %parallel_loop3A_305 : vector<1x16xf32> to vector<16xf32>
        %parallel_loop3A_307 = vector.shape_cast %parallel_loop3A_302 : vector<16xf32> to vector<1x16xf32>
        tpu.vector_store %arg10[%parallel_loop3A_303, %parallel_loop3A_304], %parallel_loop3A_307 {add = true, strides = array<i32>} : memref<80x128xf32, #tpu.memory_space<vmem>>, vector<1x16xf32>,
        %parallel_loop3A_308 = arith.index_cast %parallel_loop3A_253 : i32 to index
        %parallel_loop3A_309 = arith.constant 96 : index
        %parallel_loop3A_310 = tpu.vector_load %arg7[%parallel_loop3A_308, %parallel_loop3A_309] {strides = array<i32>} : memref<200x128xf32, #tpu.memory_space<vmem>>, vector<1x16xf32>,
        %parallel_loop3A_311 = vector.shape_cast %parallel_loop3A_310 : vector<1x16xf32> to vector<16xf32>
        %parallel_loop3A_312 = arith.index_cast %parallel_loop3A_247 : i32 to index
        %parallel_loop3A_313 = arith.constant 96 : index
        %parallel_loop3A_314 = tpu.vector_load %arg10[%parallel_loop3A_312, %parallel_loop3A_313] {strides = array<i32>} : memref<80x128xf32, #tpu.memory_space<vmem>>, vector<1x16xf32>,
        %parallel_loop3A_315 = vector.shape_cast %parallel_loop3A_314 : vector<1x16xf32> to vector<16xf32>
        %parallel_loop3A_316 = vector.shape_cast %parallel_loop3A_311 : vector<16xf32> to vector<1x16xf32>
        tpu.vector_store %arg10[%parallel_loop3A_312, %parallel_loop3A_313], %parallel_loop3A_316 {add = true, strides = array<i32>} : memref<80x128xf32, #tpu.memory_space<vmem>>, vector<1x16xf32>,
        %parallel_loop3A_317 = arith.index_cast %parallel_loop3A_253 : i32 to index
        %parallel_loop3A_318 = arith.constant 112 : index
        %parallel_loop3A_319 = tpu.vector_load %arg7[%parallel_loop3A_317, %parallel_loop3A_318] {strides = array<i32>} : memref<200x128xf32, #tpu.memory_space<vmem>>, vector<1x16xf32>,
        %parallel_loop3A_320 = vector.shape_cast %parallel_loop3A_319 : vector<1x16xf32> to vector<16xf32>
        %parallel_loop3A_321 = arith.index_cast %parallel_loop3A_247 : i32 to index
        %parallel_loop3A_322 = arith.constant 112 : index
        %parallel_loop3A_323 = tpu.vector_load %arg10[%parallel_loop3A_321, %parallel_loop3A_322] {strides = array<i32>} : memref<80x128xf32, #tpu.memory_space<vmem>>, vector<1x16xf32>,
        %parallel_loop3A_324 = vector.shape_cast %parallel_loop3A_323 : vector<1x16xf32> to vector<16xf32>
        %parallel_loop3A_325 = vector.shape_cast %parallel_loop3A_320 : vector<16xf32> to vector<1x16xf32>
        tpu.vector_store %arg10[%parallel_loop3A_321, %parallel_loop3A_322], %parallel_loop3A_325 {add = true, strides = array<i32>} : memref<80x128xf32, #tpu.memory_space<vmem>>, vector<1x16xf32>,
      } {sc.loop_unroll_factor = 4 : i64, sc.parallel_access}
      %mul3A_169 = arith.constant 80 : i32
      %mul3A_170 = arith.muli %add3A_146, %mul3A_169 : i32
      %add3A_171 = arith.addi %mul3A_2, %mul3A_170 : i32
      %dma_start3A_172 = arith.constant 2 : i32
      %dma_start3A_173 = arith.constant 0 : i32
      %dma_start3A_174 = tpu.memref_slice %arg5[%add3A_171, %dma_start3A_173] : memref<204800x128xf32, #tpu.memory_space<hbm>> -> memref<80x128xf32, #tpu.memory_space<hbm>>
      %dma_start3A_175 = tpu.memref_slice %arg14[%dma_start3A_172] : memref<5x!tpu.dma_semaphore, #tpu.memory_space<semaphore_mem>> -> memref<1x!tpu.dma_semaphore, #tpu.memory_space<semaphore_mem>>
      %dma_start3A_176 = tpu.memref_squeeze %dma_start3A_175 : memref<1x!tpu.dma_semaphore, #tpu.memory_space<semaphore_mem>> -> memref<!tpu.dma_semaphore, #tpu.memory_space<semaphore_mem>>
      %dma_start3A_177 = arith.constant 0 : i32
      %dma_start3A_178 = tpu.memref_slice %arg5[%add3A_171, %dma_start3A_177] : memref<204800x128xf32, #tpu.memory_space<hbm>> -> memref<80x128xf32, #tpu.memory_space<hbm>>
      tpu.enqueue_dma source(%arg10 : memref<80x128xf32, #tpu.memory_space<vmem>>) target(%dma_start3A_178 : memref<80x128xf32, #tpu.memory_space<hbm>>) target_semaphore(%dma_start3A_176 : memref<!tpu.dma_semaphore, #tpu.memory_space<semaphore_mem>>)
      %add3A_179 = arith.constant 3 : i32
      %add3A_180 = arith.addi %mul3A_81, %add3A_179 : i32
      %add3A_181 = arith.constant 2 : i32
      %add3A_182 = arith.addi %add3A_180, %add3A_181 : i32
      %lt3A_183 = arith.constant 80 : i32
      %lt3A_184 = arith.cmpi slt, %add3A_182, %lt3A_183 : i32
      %convert_element_type3A_185 = arith.extui %lt3A_184 : i1 to i32
      %cond3A_186 = arith.constant 0 : i32
      %cond3A_187 = arith.cmpi ne, %convert_element_type3A_185, %cond3A_186 : i32
      scf.if %cond3A_187 {
        %add3A_247 = arith.constant 2 : i32
        %add3A_248 = arith.addi %add3A_180, %add3A_247 : i32
        %ge3A = arith.constant 5 : i32
        %ge3A_249 = arith.cmpi sge, %add3A_248, %ge3A : i32
        %convert_element_type3A_250 = arith.extui %ge3A_249 : i1 to i32
        %cond3A_251 = arith.constant 0 : i32
        %cond3A_252 = arith.cmpi ne, %convert_element_type3A_250, %cond3A_251 : i32
        scf.if %cond3A_252 {
          %dma_wait3A_264 = arith.constant 0 : i32
          %dma_wait3A_265 = arith.constant 0 : i32
          %dma_wait3A_266 = arith.constant 0 : i32
          %dma_wait3A_267 = tpu.memref_slice %arg5[%dma_wait3A_265, %dma_wait3A_266] : memref<204800x128xf32, #tpu.memory_space<hbm>> -> memref<80x128xf32, #tpu.memory_space<hbm>>
          %dma_wait3A_268 = tpu.memref_slice %arg14[%dma_wait3A_264] : memref<5x!tpu.dma_semaphore, #tpu.memory_space<semaphore_mem>> -> memref<1x!tpu.dma_semaphore, #tpu.memory_space<semaphore_mem>>
          %dma_wait3A_269 = tpu.memref_squeeze %dma_wait3A_268 : memref<1x!tpu.dma_semaphore, #tpu.memory_space<semaphore_mem>> -> memref<!tpu.dma_semaphore, #tpu.memory_space<semaphore_mem>>
          %dma_wait3A_270 = arith.constant 0 : i32
          %dma_wait3A_271 = arith.constant 0 : i32
          %dma_wait3A_272 = tpu.memref_slice %arg5[%dma_wait3A_270, %dma_wait3A_271] : memref<204800x128xf32, #tpu.memory_space<hbm>> -> memref<80x128xf32, #tpu.memory_space<hbm>>
          tpu.wait_dma2 semaphore(%dma_wait3A_269 : memref<!tpu.dma_semaphore, #tpu.memory_space<semaphore_mem>>) src(%arg8 : memref<80x128xf32, #tpu.memory_space<vmem>>) dst(%dma_wait3A_272 : memref<80x128xf32, #tpu.memory_space<hbm>>)
        } else {
        }
        %add3A_253 = arith.constant 2 : i32
        %add3A_254 = arith.addi %add3A_180, %add3A_253 : i32
        %mul3A_255 = arith.constant 80 : i32
        %mul3A_256 = arith.muli %add3A_254, %mul3A_255 : i32
        %dma_start3A_257 = arith.constant 0 : i32
        %dma_start3A_258 = tpu.memref_slice %arg6[%mul3A_256] : memref<6400xi32, #tpu.memory_space<vmem>> -> memref<80xi32, #tpu.memory_space<vmem>>
        %dma_start3A_259 = arith.constant 0 : i32
        %dma_start3A_260 = arith.constant 0 : i32
        %dma_start3A_261 = tpu.memref_slice %arg3[%dma_start3A_259, %dma_start3A_260] : memref<100000x128xf32, #tpu.memory_space<hbm>> -> memref<100000x128xf32, #tpu.memory_space<hbm>>
        %dma_start3A_262 = tpu.memref_slice %arg13[%dma_start3A_257] : memref<5x!tpu.dma_semaphore, #tpu.memory_space<semaphore_mem>> -> memref<1x!tpu.dma_semaphore, #tpu.memory_space<semaphore_mem>>
        %dma_start3A_263 = tpu.memref_squeeze %dma_start3A_262 : memref<1x!tpu.dma_semaphore, #tpu.memory_space<semaphore_mem>> -> memref<!tpu.dma_semaphore, #tpu.memory_space<semaphore_mem>>
        tpu.enqueue_indirect_dma source(%dma_start3A_261 : memref<100000x128xf32, #tpu.memory_space<hbm>>) target(%arg8 : memref<80x128xf32, #tpu.memory_space<vmem>>) offsets(%dma_start3A_258 : memref<80xi32, #tpu.memory_space<vmem>>) semaphore(%dma_start3A_263 : memref<!tpu.dma_semaphore, #tpu.memory_space<semaphore_mem>>)
      } else {
      }
      %dma_wait3A_188 = arith.constant 3 : i32
      %dma_wait3A_189 = arith.constant 0 : i32
      %dma_wait3A_190 = tpu.memref_slice %arg6[%dma_wait3A_189] : memref<6400xi32, #tpu.memory_space<vmem>> -> memref<80xi32, #tpu.memory_space<vmem>>
      %dma_wait3A_191 = arith.constant 0 : i32
      %dma_wait3A_192 = arith.constant 0 : i32
      %dma_wait3A_193 = tpu.memref_slice %arg3[%dma_wait3A_191, %dma_wait3A_192] : memref<100000x128xf32, #tpu.memory_space<hbm>> -> memref<100000x128xf32, #tpu.memory_space<hbm>>
      %dma_wait3A_194 = tpu.memref_slice %arg13[%dma_wait3A_188] : memref<5x!tpu.dma_semaphore, #tpu.memory_space<semaphore_mem>> -> memref<1x!tpu.dma_semaphore, #tpu.memory_space<semaphore_mem>>
      %dma_wait3A_195 = tpu.memref_squeeze %dma_wait3A_194 : memref<1x!tpu.dma_semaphore, #tpu.memory_space<semaphore_mem>> -> memref<!tpu.dma_semaphore, #tpu.memory_space<semaphore_mem>>
      tpu.wait_indirect_dma semaphore(%dma_wait3A_195 : memref<!tpu.dma_semaphore, #tpu.memory_space<semaphore_mem>>) src(%dma_wait3A_193 : memref<100000x128xf32, #tpu.memory_space<hbm>>) dst(%arg11 : memref<80x128xf32, #tpu.memory_space<vmem>>)
      %mul3A_196 = arith.constant 80 : i32
      %mul3A_197 = arith.muli %add3A_180, %mul3A_196 : i32
      %rem3A_198 = arith.constant 200 : i32
      %rem3A_199 = arith.remsi %mul3A_197, %rem3A_198 : i32
      %parallel_loop3A_200 = arith.constant 0 : i32
      %parallel_loop3A_201 = arith.constant 80 : i32
      %parallel_loop3A_202 = arith.constant 1 : i32
      scf.for %parallel_loop3A_247 = %parallel_loop3A_200 to %parallel_loop3A_201 step %parallel_loop3A_202  : i32 {
        %parallel_loop3A_248 = arith.addi %rem3A_199, %parallel_loop3A_247 : i32
        %parallel_loop3A_249 = arith.constant 200 : i32
        %parallel_loop3A_250 = arith.cmpi sge, %parallel_loop3A_248, %parallel_loop3A_249 : i32
        %parallel_loop3A_251 = arith.constant 200 : i32
        %parallel_loop3A_252 = arith.subi %parallel_loop3A_248, %parallel_loop3A_251 : i32
        %parallel_loop3A_253 = arith.select %parallel_loop3A_250, %parallel_loop3A_252, %parallel_loop3A_248 : i32
        %parallel_loop3A_254 = arith.index_cast %parallel_loop3A_253 : i32 to index
        %parallel_loop3A_255 = arith.constant 0 : index
        %parallel_loop3A_256 = tpu.vector_load %arg7[%parallel_loop3A_254, %parallel_loop3A_255] {strides = array<i32>} : memref<200x128xf32, #tpu.memory_space<vmem>>, vector<1x16xf32>,
        %parallel_loop3A_257 = vector.shape_cast %parallel_loop3A_256 : vector<1x16xf32> to vector<16xf32>
        %parallel_loop3A_258 = arith.index_cast %parallel_loop3A_247 : i32 to index
        %parallel_loop3A_259 = arith.constant 0 : index
        %parallel_loop3A_260 = tpu.vector_load %arg11[%parallel_loop3A_258, %parallel_loop3A_259] {strides = array<i32>} : memref<80x128xf32, #tpu.memory_space<vmem>>, vector<1x16xf32>,
        %parallel_loop3A_261 = vector.shape_cast %parallel_loop3A_260 : vector<1x16xf32> to vector<16xf32>
        %parallel_loop3A_262 = vector.shape_cast %parallel_loop3A_257 : vector<16xf32> to vector<1x16xf32>
        tpu.vector_store %arg11[%parallel_loop3A_258, %parallel_loop3A_259], %parallel_loop3A_262 {add = true, strides = array<i32>} : memref<80x128xf32, #tpu.memory_space<vmem>>, vector<1x16xf32>,
        %parallel_loop3A_263 = arith.index_cast %parallel_loop3A_253 : i32 to index
        %parallel_loop3A_264 = arith.constant 16 : index
        %parallel_loop3A_265 = tpu.vector_load %arg7[%parallel_loop3A_263, %parallel_loop3A_264] {strides = array<i32>} : memref<200x128xf32, #tpu.memory_space<vmem>>, vector<1x16xf32>,
        %parallel_loop3A_266 = vector.shape_cast %parallel_loop3A_265 : vector<1x16xf32> to vector<16xf32>
        %parallel_loop3A_267 = arith.index_cast %parallel_loop3A_247 : i32 to index
        %parallel_loop3A_268 = arith.constant 16 : index
        %parallel_loop3A_269 = tpu.vector_load %arg11[%parallel_loop3A_267, %parallel_loop3A_268] {strides = array<i32>} : memref<80x128xf32, #tpu.memory_space<vmem>>, vector<1x16xf32>,
        %parallel_loop3A_270 = vector.shape_cast %parallel_loop3A_269 : vector<1x16xf32> to vector<16xf32>
        %parallel_loop3A_271 = vector.shape_cast %parallel_loop3A_266 : vector<16xf32> to vector<1x16xf32>
        tpu.vector_store %arg11[%parallel_loop3A_267, %parallel_loop3A_268], %parallel_loop3A_271 {add = true, strides = array<i32>} : memref<80x128xf32, #tpu.memory_space<vmem>>, vector<1x16xf32>,
        %parallel_loop3A_272 = arith.index_cast %parallel_loop3A_253 : i32 to index
        %parallel_loop3A_273 = arith.constant 32 : index
        %parallel_loop3A_274 = tpu.vector_load %arg7[%parallel_loop3A_272, %parallel_loop3A_273] {strides = array<i32>} : memref<200x128xf32, #tpu.memory_space<vmem>>, vector<1x16xf32>,
        %parallel_loop3A_275 = vector.shape_cast %parallel_loop3A_274 : vector<1x16xf32> to vector<16xf32>
        %parallel_loop3A_276 = arith.index_cast %parallel_loop3A_247 : i32 to index
        %parallel_loop3A_277 = arith.constant 32 : index
        %parallel_loop3A_278 = tpu.vector_load %arg11[%parallel_loop3A_276, %parallel_loop3A_277] {strides = array<i32>} : memref<80x128xf32, #tpu.memory_space<vmem>>, vector<1x16xf32>,
        %parallel_loop3A_279 = vector.shape_cast %parallel_loop3A_278 : vector<1x16xf32> to vector<16xf32>
        %parallel_loop3A_280 = vector.shape_cast %parallel_loop3A_275 : vector<16xf32> to vector<1x16xf32>
        tpu.vector_store %arg11[%parallel_loop3A_276, %parallel_loop3A_277], %parallel_loop3A_280 {add = true, strides = array<i32>} : memref<80x128xf32, #tpu.memory_space<vmem>>, vector<1x16xf32>,
        %parallel_loop3A_281 = arith.index_cast %parallel_loop3A_253 : i32 to index
        %parallel_loop3A_282 = arith.constant 48 : index
        %parallel_loop3A_283 = tpu.vector_load %arg7[%parallel_loop3A_281, %parallel_loop3A_282] {strides = array<i32>} : memref<200x128xf32, #tpu.memory_space<vmem>>, vector<1x16xf32>,
        %parallel_loop3A_284 = vector.shape_cast %parallel_loop3A_283 : vector<1x16xf32> to vector<16xf32>
        %parallel_loop3A_285 = arith.index_cast %parallel_loop3A_247 : i32 to index
        %parallel_loop3A_286 = arith.constant 48 : index
        %parallel_loop3A_287 = tpu.vector_load %arg11[%parallel_loop3A_285, %parallel_loop3A_286] {strides = array<i32>} : memref<80x128xf32, #tpu.memory_space<vmem>>, vector<1x16xf32>,
        %parallel_loop3A_288 = vector.shape_cast %parallel_loop3A_287 : vector<1x16xf32> to vector<16xf32>
        %parallel_loop3A_289 = vector.shape_cast %parallel_loop3A_284 : vector<16xf32> to vector<1x16xf32>
        tpu.vector_store %arg11[%parallel_loop3A_285, %parallel_loop3A_286], %parallel_loop3A_289 {add = true, strides = array<i32>} : memref<80x128xf32, #tpu.memory_space<vmem>>, vector<1x16xf32>,
        %parallel_loop3A_290 = arith.index_cast %parallel_loop3A_253 : i32 to index
        %parallel_loop3A_291 = arith.constant 64 : index
        %parallel_loop3A_292 = tpu.vector_load %arg7[%parallel_loop3A_290, %parallel_loop3A_291] {strides = array<i32>} : memref<200x128xf32, #tpu.memory_space<vmem>>, vector<1x16xf32>,
        %parallel_loop3A_293 = vector.shape_cast %parallel_loop3A_292 : vector<1x16xf32> to vector<16xf32>
        %parallel_loop3A_294 = arith.index_cast %parallel_loop3A_247 : i32 to index
        %parallel_loop3A_295 = arith.constant 64 : index
        %parallel_loop3A_296 = tpu.vector_load %arg11[%parallel_loop3A_294, %parallel_loop3A_295] {strides = array<i32>} : memref<80x128xf32, #tpu.memory_space<vmem>>, vector<1x16xf32>,
        %parallel_loop3A_297 = vector.shape_cast %parallel_loop3A_296 : vector<1x16xf32> to vector<16xf32>
        %parallel_loop3A_298 = vector.shape_cast %parallel_loop3A_293 : vector<16xf32> to vector<1x16xf32>
        tpu.vector_store %arg11[%parallel_loop3A_294, %parallel_loop3A_295], %parallel_loop3A_298 {add = true, strides = array<i32>} : memref<80x128xf32, #tpu.memory_space<vmem>>, vector<1x16xf32>,
        %parallel_loop3A_299 = arith.index_cast %parallel_loop3A_253 : i32 to index
        %parallel_loop3A_300 = arith.constant 80 : index
        %parallel_loop3A_301 = tpu.vector_load %arg7[%parallel_loop3A_299, %parallel_loop3A_300] {strides = array<i32>} : memref<200x128xf32, #tpu.memory_space<vmem>>, vector<1x16xf32>,
        %parallel_loop3A_302 = vector.shape_cast %parallel_loop3A_301 : vector<1x16xf32> to vector<16xf32>
        %parallel_loop3A_303 = arith.index_cast %parallel_loop3A_247 : i32 to index
        %parallel_loop3A_304 = arith.constant 80 : index
        %parallel_loop3A_305 = tpu.vector_load %arg11[%parallel_loop3A_303, %parallel_loop3A_304] {strides = array<i32>} : memref<80x128xf32, #tpu.memory_space<vmem>>, vector<1x16xf32>,
        %parallel_loop3A_306 = vector.shape_cast %parallel_loop3A_305 : vector<1x16xf32> to vector<16xf32>
        %parallel_loop3A_307 = vector.shape_cast %parallel_loop3A_302 : vector<16xf32> to vector<1x16xf32>
        tpu.vector_store %arg11[%parallel_loop3A_303, %parallel_loop3A_304], %parallel_loop3A_307 {add = true, strides = array<i32>} : memref<80x128xf32, #tpu.memory_space<vmem>>, vector<1x16xf32>,
        %parallel_loop3A_308 = arith.index_cast %parallel_loop3A_253 : i32 to index
        %parallel_loop3A_309 = arith.constant 96 : index
        %parallel_loop3A_310 = tpu.vector_load %arg7[%parallel_loop3A_308, %parallel_loop3A_309] {strides = array<i32>} : memref<200x128xf32, #tpu.memory_space<vmem>>, vector<1x16xf32>,
        %parallel_loop3A_311 = vector.shape_cast %parallel_loop3A_310 : vector<1x16xf32> to vector<16xf32>
        %parallel_loop3A_312 = arith.index_cast %parallel_loop3A_247 : i32 to index
        %parallel_loop3A_313 = arith.constant 96 : index
        %parallel_loop3A_314 = tpu.vector_load %arg11[%parallel_loop3A_312, %parallel_loop3A_313] {strides = array<i32>} : memref<80x128xf32, #tpu.memory_space<vmem>>, vector<1x16xf32>,
        %parallel_loop3A_315 = vector.shape_cast %parallel_loop3A_314 : vector<1x16xf32> to vector<16xf32>
        %parallel_loop3A_316 = vector.shape_cast %parallel_loop3A_311 : vector<16xf32> to vector<1x16xf32>
        tpu.vector_store %arg11[%parallel_loop3A_312, %parallel_loop3A_313], %parallel_loop3A_316 {add = true, strides = array<i32>} : memref<80x128xf32, #tpu.memory_space<vmem>>, vector<1x16xf32>,
        %parallel_loop3A_317 = arith.index_cast %parallel_loop3A_253 : i32 to index
        %parallel_loop3A_318 = arith.constant 112 : index
        %parallel_loop3A_319 = tpu.vector_load %arg7[%parallel_loop3A_317, %parallel_loop3A_318] {strides = array<i32>} : memref<200x128xf32, #tpu.memory_space<vmem>>, vector<1x16xf32>,
        %parallel_loop3A_320 = vector.shape_cast %parallel_loop3A_319 : vector<1x16xf32> to vector<16xf32>
        %parallel_loop3A_321 = arith.index_cast %parallel_loop3A_247 : i32 to index
        %parallel_loop3A_322 = arith.constant 112 : index
        %parallel_loop3A_323 = tpu.vector_load %arg11[%parallel_loop3A_321, %parallel_loop3A_322] {strides = array<i32>} : memref<80x128xf32, #tpu.memory_space<vmem>>, vector<1x16xf32>,
        %parallel_loop3A_324 = vector.shape_cast %parallel_loop3A_323 : vector<1x16xf32> to vector<16xf32>
        %parallel_loop3A_325 = vector.shape_cast %parallel_loop3A_320 : vector<16xf32> to vector<1x16xf32>
        tpu.vector_store %arg11[%parallel_loop3A_321, %parallel_loop3A_322], %parallel_loop3A_325 {add = true, strides = array<i32>} : memref<80x128xf32, #tpu.memory_space<vmem>>, vector<1x16xf32>,
      } {sc.loop_unroll_factor = 4 : i64, sc.parallel_access}
      %mul3A_203 = arith.constant 80 : i32
      %mul3A_204 = arith.muli %add3A_180, %mul3A_203 : i32
      %add3A_205 = arith.addi %mul3A_2, %mul3A_204 : i32
      %dma_start3A_206 = arith.constant 3 : i32
      %dma_start3A_207 = arith.constant 0 : i32
      %dma_start3A_208 = tpu.memref_slice %arg5[%add3A_205, %dma_start3A_207] : memref<204800x128xf32, #tpu.memory_space<hbm>> -> memref<80x128xf32, #tpu.memory_space<hbm>>
      %dma_start3A_209 = tpu.memref_slice %arg14[%dma_start3A_206] : memref<5x!tpu.dma_semaphore, #tpu.memory_space<semaphore_mem>> -> memref<1x!tpu.dma_semaphore, #tpu.memory_space<semaphore_mem>>
      %dma_start3A_210 = tpu.memref_squeeze %dma_start3A_209 : memref<1x!tpu.dma_semaphore, #tpu.memory_space<semaphore_mem>> -> memref<!tpu.dma_semaphore, #tpu.memory_space<semaphore_mem>>
      %dma_start3A_211 = arith.constant 0 : i32
      %dma_start3A_212 = tpu.memref_slice %arg5[%add3A_205, %dma_start3A_211] : memref<204800x128xf32, #tpu.memory_space<hbm>> -> memref<80x128xf32, #tpu.memory_space<hbm>>
      tpu.enqueue_dma source(%arg11 : memref<80x128xf32, #tpu.memory_space<vmem>>) target(%dma_start3A_212 : memref<80x128xf32, #tpu.memory_space<hbm>>) target_semaphore(%dma_start3A_210 : memref<!tpu.dma_semaphore, #tpu.memory_space<semaphore_mem>>)
      %add3A_213 = arith.constant 4 : i32
      %add3A_214 = arith.addi %mul3A_81, %add3A_213 : i32
      %add3A_215 = arith.constant 2 : i32
      %add3A_216 = arith.addi %add3A_214, %add3A_215 : i32
      %lt3A_217 = arith.constant 80 : i32
      %lt3A_218 = arith.cmpi slt, %add3A_216, %lt3A_217 : i32
      %convert_element_type3A_219 = arith.extui %lt3A_218 : i1 to i32
      %cond3A_220 = arith.constant 0 : i32
      %cond3A_221 = arith.cmpi ne, %convert_element_type3A_219, %cond3A_220 : i32
      scf.if %cond3A_221 {
        %add3A_247 = arith.constant 2 : i32
        %add3A_248 = arith.addi %add3A_214, %add3A_247 : i32
        %ge3A = arith.constant 5 : i32
        %ge3A_249 = arith.cmpi sge, %add3A_248, %ge3A : i32
        %convert_element_type3A_250 = arith.extui %ge3A_249 : i1 to i32
        %cond3A_251 = arith.constant 0 : i32
        %cond3A_252 = arith.cmpi ne, %convert_element_type3A_250, %cond3A_251 : i32
        scf.if %cond3A_252 {
          %dma_wait3A_264 = arith.constant 1 : i32
          %dma_wait3A_265 = arith.constant 0 : i32
          %dma_wait3A_266 = arith.constant 0 : i32
          %dma_wait3A_267 = tpu.memref_slice %arg5[%dma_wait3A_265, %dma_wait3A_266] : memref<204800x128xf32, #tpu.memory_space<hbm>> -> memref<80x128xf32, #tpu.memory_space<hbm>>
          %dma_wait3A_268 = tpu.memref_slice %arg14[%dma_wait3A_264] : memref<5x!tpu.dma_semaphore, #tpu.memory_space<semaphore_mem>> -> memref<1x!tpu.dma_semaphore, #tpu.memory_space<semaphore_mem>>
          %dma_wait3A_269 = tpu.memref_squeeze %dma_wait3A_268 : memref<1x!tpu.dma_semaphore, #tpu.memory_space<semaphore_mem>> -> memref<!tpu.dma_semaphore, #tpu.memory_space<semaphore_mem>>
          %dma_wait3A_270 = arith.constant 0 : i32
          %dma_wait3A_271 = arith.constant 0 : i32
          %dma_wait3A_272 = tpu.memref_slice %arg5[%dma_wait3A_270, %dma_wait3A_271] : memref<204800x128xf32, #tpu.memory_space<hbm>> -> memref<80x128xf32, #tpu.memory_space<hbm>>
          tpu.wait_dma2 semaphore(%dma_wait3A_269 : memref<!tpu.dma_semaphore, #tpu.memory_space<semaphore_mem>>) src(%arg9 : memref<80x128xf32, #tpu.memory_space<vmem>>) dst(%dma_wait3A_272 : memref<80x128xf32, #tpu.memory_space<hbm>>)
        } else {
        }
        %add3A_253 = arith.constant 2 : i32
        %add3A_254 = arith.addi %add3A_214, %add3A_253 : i32
        %mul3A_255 = arith.constant 80 : i32
        %mul3A_256 = arith.muli %add3A_254, %mul3A_255 : i32
        %dma_start3A_257 = arith.constant 1 : i32
        %dma_start3A_258 = tpu.memref_slice %arg6[%mul3A_256] : memref<6400xi32, #tpu.memory_space<vmem>> -> memref<80xi32, #tpu.memory_space<vmem>>
        %dma_start3A_259 = arith.constant 0 : i32
        %dma_start3A_260 = arith.constant 0 : i32
        %dma_start3A_261 = tpu.memref_slice %arg3[%dma_start3A_259, %dma_start3A_260] : memref<100000x128xf32, #tpu.memory_space<hbm>> -> memref<100000x128xf32, #tpu.memory_space<hbm>>
        %dma_start3A_262 = tpu.memref_slice %arg13[%dma_start3A_257] : memref<5x!tpu.dma_semaphore, #tpu.memory_space<semaphore_mem>> -> memref<1x!tpu.dma_semaphore, #tpu.memory_space<semaphore_mem>>
        %dma_start3A_263 = tpu.memref_squeeze %dma_start3A_262 : memref<1x!tpu.dma_semaphore, #tpu.memory_space<semaphore_mem>> -> memref<!tpu.dma_semaphore, #tpu.memory_space<semaphore_mem>>
        tpu.enqueue_indirect_dma source(%dma_start3A_261 : memref<100000x128xf32, #tpu.memory_space<hbm>>) target(%arg9 : memref<80x128xf32, #tpu.memory_space<vmem>>) offsets(%dma_start3A_258 : memref<80xi32, #tpu.memory_space<vmem>>) semaphore(%dma_start3A_263 : memref<!tpu.dma_semaphore, #tpu.memory_space<semaphore_mem>>)
      } else {
      }
      %dma_wait3A_222 = arith.constant 4 : i32
      %dma_wait3A_223 = arith.constant 0 : i32
      %dma_wait3A_224 = tpu.memref_slice %arg6[%dma_wait3A_223] : memref<6400xi32, #tpu.memory_space<vmem>> -> memref<80xi32, #tpu.memory_space<vmem>>
      %dma_wait3A_225 = arith.constant 0 : i32
      %dma_wait3A_226 = arith.constant 0 : i32
      %dma_wait3A_227 = tpu.memref_slice %arg3[%dma_wait3A_225, %dma_wait3A_226] : memref<100000x128xf32, #tpu.memory_space<hbm>> -> memref<100000x128xf32, #tpu.memory_space<hbm>>
      %dma_wait3A_228 = tpu.memref_slice %arg13[%dma_wait3A_222] : memref<5x!tpu.dma_semaphore, #tpu.memory_space<semaphore_mem>> -> memref<1x!tpu.dma_semaphore, #tpu.memory_space<semaphore_mem>>
      %dma_wait3A_229 = tpu.memref_squeeze %dma_wait3A_228 : memref<1x!tpu.dma_semaphore, #tpu.memory_space<semaphore_mem>> -> memref<!tpu.dma_semaphore, #tpu.memory_space<semaphore_mem>>
      tpu.wait_indirect_dma semaphore(%dma_wait3A_229 : memref<!tpu.dma_semaphore, #tpu.memory_space<semaphore_mem>>) src(%dma_wait3A_227 : memref<100000x128xf32, #tpu.memory_space<hbm>>) dst(%arg12 : memref<80x128xf32, #tpu.memory_space<vmem>>)
      %mul3A_230 = arith.constant 80 : i32
      %mul3A_231 = arith.muli %add3A_214, %mul3A_230 : i32
      %rem3A_232 = arith.constant 200 : i32
      %rem3A_233 = arith.remsi %mul3A_231, %rem3A_232 : i32
      %parallel_loop3A_234 = arith.constant 0 : i32
      %parallel_loop3A_235 = arith.constant 80 : i32
      %parallel_loop3A_236 = arith.constant 1 : i32
      scf.for %parallel_loop3A_247 = %parallel_loop3A_234 to %parallel_loop3A_235 step %parallel_loop3A_236  : i32 {
        %parallel_loop3A_248 = arith.addi %rem3A_233, %parallel_loop3A_247 : i32
        %parallel_loop3A_249 = arith.constant 200 : i32
        %parallel_loop3A_250 = arith.cmpi sge, %parallel_loop3A_248, %parallel_loop3A_249 : i32
        %parallel_loop3A_251 = arith.constant 200 : i32
        %parallel_loop3A_252 = arith.subi %parallel_loop3A_248, %parallel_loop3A_251 : i32
        %parallel_loop3A_253 = arith.select %parallel_loop3A_250, %parallel_loop3A_252, %parallel_loop3A_248 : i32
        %parallel_loop3A_254 = arith.index_cast %parallel_loop3A_253 : i32 to index
        %parallel_loop3A_255 = arith.constant 0 : index
        %parallel_loop3A_256 = tpu.vector_load %arg7[%parallel_loop3A_254, %parallel_loop3A_255] {strides = array<i32>} : memref<200x128xf32, #tpu.memory_space<vmem>>, vector<1x16xf32>,
        %parallel_loop3A_257 = vector.shape_cast %parallel_loop3A_256 : vector<1x16xf32> to vector<16xf32>
        %parallel_loop3A_258 = arith.index_cast %parallel_loop3A_247 : i32 to index
        %parallel_loop3A_259 = arith.constant 0 : index
        %parallel_loop3A_260 = tpu.vector_load %arg12[%parallel_loop3A_258, %parallel_loop3A_259] {strides = array<i32>} : memref<80x128xf32, #tpu.memory_space<vmem>>, vector<1x16xf32>,
        %parallel_loop3A_261 = vector.shape_cast %parallel_loop3A_260 : vector<1x16xf32> to vector<16xf32>
        %parallel_loop3A_262 = vector.shape_cast %parallel_loop3A_257 : vector<16xf32> to vector<1x16xf32>
        tpu.vector_store %arg12[%parallel_loop3A_258, %parallel_loop3A_259], %parallel_loop3A_262 {add = true, strides = array<i32>} : memref<80x128xf32, #tpu.memory_space<vmem>>, vector<1x16xf32>,
        %parallel_loop3A_263 = arith.index_cast %parallel_loop3A_253 : i32 to index
        %parallel_loop3A_264 = arith.constant 16 : index
        %parallel_loop3A_265 = tpu.vector_load %arg7[%parallel_loop3A_263, %parallel_loop3A_264] {strides = array<i32>} : memref<200x128xf32, #tpu.memory_space<vmem>>, vector<1x16xf32>,
        %parallel_loop3A_266 = vector.shape_cast %parallel_loop3A_265 : vector<1x16xf32> to vector<16xf32>
        %parallel_loop3A_267 = arith.index_cast %parallel_loop3A_247 : i32 to index
        %parallel_loop3A_268 = arith.constant 16 : index
        %parallel_loop3A_269 = tpu.vector_load %arg12[%parallel_loop3A_267, %parallel_loop3A_268] {strides = array<i32>} : memref<80x128xf32, #tpu.memory_space<vmem>>, vector<1x16xf32>,
        %parallel_loop3A_270 = vector.shape_cast %parallel_loop3A_269 : vector<1x16xf32> to vector<16xf32>
        %parallel_loop3A_271 = vector.shape_cast %parallel_loop3A_266 : vector<16xf32> to vector<1x16xf32>
        tpu.vector_store %arg12[%parallel_loop3A_267, %parallel_loop3A_268], %parallel_loop3A_271 {add = true, strides = array<i32>} : memref<80x128xf32, #tpu.memory_space<vmem>>, vector<1x16xf32>,
        %parallel_loop3A_272 = arith.index_cast %parallel_loop3A_253 : i32 to index
        %parallel_loop3A_273 = arith.constant 32 : index
        %parallel_loop3A_274 = tpu.vector_load %arg7[%parallel_loop3A_272, %parallel_loop3A_273] {strides = array<i32>} : memref<200x128xf32, #tpu.memory_space<vmem>>, vector<1x16xf32>,
        %parallel_loop3A_275 = vector.shape_cast %parallel_loop3A_274 : vector<1x16xf32> to vector<16xf32>
        %parallel_loop3A_276 = arith.index_cast %parallel_loop3A_247 : i32 to index
        %parallel_loop3A_277 = arith.constant 32 : index
        %parallel_loop3A_278 = tpu.vector_load %arg12[%parallel_loop3A_276, %parallel_loop3A_277] {strides = array<i32>} : memref<80x128xf32, #tpu.memory_space<vmem>>, vector<1x16xf32>,
        %parallel_loop3A_279 = vector.shape_cast %parallel_loop3A_278 : vector<1x16xf32> to vector<16xf32>
        %parallel_loop3A_280 = vector.shape_cast %parallel_loop3A_275 : vector<16xf32> to vector<1x16xf32>
        tpu.vector_store %arg12[%parallel_loop3A_276, %parallel_loop3A_277], %parallel_loop3A_280 {add = true, strides = array<i32>} : memref<80x128xf32, #tpu.memory_space<vmem>>, vector<1x16xf32>,
        %parallel_loop3A_281 = arith.index_cast %parallel_loop3A_253 : i32 to index
        %parallel_loop3A_282 = arith.constant 48 : index
        %parallel_loop3A_283 = tpu.vector_load %arg7[%parallel_loop3A_281, %parallel_loop3A_282] {strides = array<i32>} : memref<200x128xf32, #tpu.memory_space<vmem>>, vector<1x16xf32>,
        %parallel_loop3A_284 = vector.shape_cast %parallel_loop3A_283 : vector<1x16xf32> to vector<16xf32>
        %parallel_loop3A_285 = arith.index_cast %parallel_loop3A_247 : i32 to index
        %parallel_loop3A_286 = arith.constant 48 : index
        %parallel_loop3A_287 = tpu.vector_load %arg12[%parallel_loop3A_285, %parallel_loop3A_286] {strides = array<i32>} : memref<80x128xf32, #tpu.memory_space<vmem>>, vector<1x16xf32>,
        %parallel_loop3A_288 = vector.shape_cast %parallel_loop3A_287 : vector<1x16xf32> to vector<16xf32>
        %parallel_loop3A_289 = vector.shape_cast %parallel_loop3A_284 : vector<16xf32> to vector<1x16xf32>
        tpu.vector_store %arg12[%parallel_loop3A_285, %parallel_loop3A_286], %parallel_loop3A_289 {add = true, strides = array<i32>} : memref<80x128xf32, #tpu.memory_space<vmem>>, vector<1x16xf32>,
        %parallel_loop3A_290 = arith.index_cast %parallel_loop3A_253 : i32 to index
        %parallel_loop3A_291 = arith.constant 64 : index
        %parallel_loop3A_292 = tpu.vector_load %arg7[%parallel_loop3A_290, %parallel_loop3A_291] {strides = array<i32>} : memref<200x128xf32, #tpu.memory_space<vmem>>, vector<1x16xf32>,
        %parallel_loop3A_293 = vector.shape_cast %parallel_loop3A_292 : vector<1x16xf32> to vector<16xf32>
        %parallel_loop3A_294 = arith.index_cast %parallel_loop3A_247 : i32 to index
        %parallel_loop3A_295 = arith.constant 64 : index
        %parallel_loop3A_296 = tpu.vector_load %arg12[%parallel_loop3A_294, %parallel_loop3A_295] {strides = array<i32>} : memref<80x128xf32, #tpu.memory_space<vmem>>, vector<1x16xf32>,
        %parallel_loop3A_297 = vector.shape_cast %parallel_loop3A_296 : vector<1x16xf32> to vector<16xf32>
        %parallel_loop3A_298 = vector.shape_cast %parallel_loop3A_293 : vector<16xf32> to vector<1x16xf32>
        tpu.vector_store %arg12[%parallel_loop3A_294, %parallel_loop3A_295], %parallel_loop3A_298 {add = true, strides = array<i32>} : memref<80x128xf32, #tpu.memory_space<vmem>>, vector<1x16xf32>,
        %parallel_loop3A_299 = arith.index_cast %parallel_loop3A_253 : i32 to index
        %parallel_loop3A_300 = arith.constant 80 : index
        %parallel_loop3A_301 = tpu.vector_load %arg7[%parallel_loop3A_299, %parallel_loop3A_300] {strides = array<i32>} : memref<200x128xf32, #tpu.memory_space<vmem>>, vector<1x16xf32>,
        %parallel_loop3A_302 = vector.shape_cast %parallel_loop3A_301 : vector<1x16xf32> to vector<16xf32>
        %parallel_loop3A_303 = arith.index_cast %parallel_loop3A_247 : i32 to index
        %parallel_loop3A_304 = arith.constant 80 : index
        %parallel_loop3A_305 = tpu.vector_load %arg12[%parallel_loop3A_303, %parallel_loop3A_304] {strides = array<i32>} : memref<80x128xf32, #tpu.memory_space<vmem>>, vector<1x16xf32>,
        %parallel_loop3A_306 = vector.shape_cast %parallel_loop3A_305 : vector<1x16xf32> to vector<16xf32>
        %parallel_loop3A_307 = vector.shape_cast %parallel_loop3A_302 : vector<16xf32> to vector<1x16xf32>
        tpu.vector_store %arg12[%parallel_loop3A_303, %parallel_loop3A_304], %parallel_loop3A_307 {add = true, strides = array<i32>} : memref<80x128xf32, #tpu.memory_space<vmem>>, vector<1x16xf32>,
        %parallel_loop3A_308 = arith.index_cast %parallel_loop3A_253 : i32 to index
        %parallel_loop3A_309 = arith.constant 96 : index
        %parallel_loop3A_310 = tpu.vector_load %arg7[%parallel_loop3A_308, %parallel_loop3A_309] {strides = array<i32>} : memref<200x128xf32, #tpu.memory_space<vmem>>, vector<1x16xf32>,
        %parallel_loop3A_311 = vector.shape_cast %parallel_loop3A_310 : vector<1x16xf32> to vector<16xf32>
        %parallel_loop3A_312 = arith.index_cast %parallel_loop3A_247 : i32 to index
        %parallel_loop3A_313 = arith.constant 96 : index
        %parallel_loop3A_314 = tpu.vector_load %arg12[%parallel_loop3A_312, %parallel_loop3A_313] {strides = array<i32>} : memref<80x128xf32, #tpu.memory_space<vmem>>, vector<1x16xf32>,
        %parallel_loop3A_315 = vector.shape_cast %parallel_loop3A_314 : vector<1x16xf32> to vector<16xf32>
        %parallel_loop3A_316 = vector.shape_cast %parallel_loop3A_311 : vector<16xf32> to vector<1x16xf32>
        tpu.vector_store %arg12[%parallel_loop3A_312, %parallel_loop3A_313], %parallel_loop3A_316 {add = true, strides = array<i32>} : memref<80x128xf32, #tpu.memory_space<vmem>>, vector<1x16xf32>,
        %parallel_loop3A_317 = arith.index_cast %parallel_loop3A_253 : i32 to index
        %parallel_loop3A_318 = arith.constant 112 : index
        %parallel_loop3A_319 = tpu.vector_load %arg7[%parallel_loop3A_317, %parallel_loop3A_318] {strides = array<i32>} : memref<200x128xf32, #tpu.memory_space<vmem>>, vector<1x16xf32>,
        %parallel_loop3A_320 = vector.shape_cast %parallel_loop3A_319 : vector<1x16xf32> to vector<16xf32>
        %parallel_loop3A_321 = arith.index_cast %parallel_loop3A_247 : i32 to index
        %parallel_loop3A_322 = arith.constant 112 : index
        %parallel_loop3A_323 = tpu.vector_load %arg12[%parallel_loop3A_321, %parallel_loop3A_322] {strides = array<i32>} : memref<80x128xf32, #tpu.memory_space<vmem>>, vector<1x16xf32>,
        %parallel_loop3A_324 = vector.shape_cast %parallel_loop3A_323 : vector<1x16xf32> to vector<16xf32>
        %parallel_loop3A_325 = vector.shape_cast %parallel_loop3A_320 : vector<16xf32> to vector<1x16xf32>
        tpu.vector_store %arg12[%parallel_loop3A_321, %parallel_loop3A_322], %parallel_loop3A_325 {add = true, strides = array<i32>} : memref<80x128xf32, #tpu.memory_space<vmem>>, vector<1x16xf32>,
      } {sc.loop_unroll_factor = 4 : i64, sc.parallel_access}
      %mul3A_237 = arith.constant 80 : i32
      %mul3A_238 = arith.muli %add3A_214, %mul3A_237 : i32
      %add3A_239 = arith.addi %mul3A_2, %mul3A_238 : i32
      %dma_start3A_240 = arith.constant 4 : i32
      %dma_start3A_241 = arith.constant 0 : i32
      %dma_start3A_242 = tpu.memref_slice %arg5[%add3A_239, %dma_start3A_241] : memref<204800x128xf32, #tpu.memory_space<hbm>> -> memref<80x128xf32, #tpu.memory_space<hbm>>
      %dma_start3A_243 = tpu.memref_slice %arg14[%dma_start3A_240] : memref<5x!tpu.dma_semaphore, #tpu.memory_space<semaphore_mem>> -> memref<1x!tpu.dma_semaphore, #tpu.memory_space<semaphore_mem>>
      %dma_start3A_244 = tpu.memref_squeeze %dma_start3A_243 : memref<1x!tpu.dma_semaphore, #tpu.memory_space<semaphore_mem>> -> memref<!tpu.dma_semaphore, #tpu.memory_space<semaphore_mem>>
      %dma_start3A_245 = arith.constant 0 : i32
      %dma_start3A_246 = tpu.memref_slice %arg5[%add3A_239, %dma_start3A_245] : memref<204800x128xf32, #tpu.memory_space<hbm>> -> memref<80x128xf32, #tpu.memory_space<hbm>>
      tpu.enqueue_dma source(%arg12 : memref<80x128xf32, #tpu.memory_space<vmem>>) target(%dma_start3A_246 : memref<80x128xf32, #tpu.memory_space<hbm>>) target_semaphore(%dma_start3A_244 : memref<!tpu.dma_semaphore, #tpu.memory_space<semaphore_mem>>)
    }
    %scan3A_33 = arith.constant 16 : i32
    %dma_wait3A_34 = arith.constant 0 : i32
    %dma_wait3A_35 = arith.constant 0 : i32
    %dma_wait3A_36 = arith.constant 0 : i32
    %dma_wait3A_37 = tpu.memref_slice %arg5[%dma_wait3A_35, %dma_wait3A_36] : memref<204800x128xf32, #tpu.memory_space<hbm>> -> memref<80x128xf32, #tpu.memory_space<hbm>>
    %dma_wait3A_38 = tpu.memref_slice %arg14[%dma_wait3A_34] : memref<5x!tpu.dma_semaphore, #tpu.memory_space<semaphore_mem>> -> memref<1x!tpu.dma_semaphore, #tpu.memory_space<semaphore_mem>>
    %dma_wait3A_39 = tpu.memref_squeeze %dma_wait3A_38 : memref<1x!tpu.dma_semaphore, #tpu.memory_space<semaphore_mem>> -> memref<!tpu.dma_semaphore, #tpu.memory_space<semaphore_mem>>
    %dma_wait3A_40 = arith.constant 0 : i32
    %dma_wait3A_41 = arith.constant 0 : i32
    %dma_wait3A_42 = tpu.memref_slice %arg5[%dma_wait3A_40, %dma_wait3A_41] : memref<204800x128xf32, #tpu.memory_space<hbm>> -> memref<80x128xf32, #tpu.memory_space<hbm>>
    tpu.wait_dma2 semaphore(%dma_wait3A_39 : memref<!tpu.dma_semaphore, #tpu.memory_space<semaphore_mem>>) src(%arg8 : memref<80x128xf32, #tpu.memory_space<vmem>>) dst(%dma_wait3A_42 : memref<80x128xf32, #tpu.memory_space<hbm>>)
    %dma_wait3A_43 = arith.constant 1 : i32
    %dma_wait3A_44 = arith.constant 0 : i32
    %dma_wait3A_45 = arith.constant 0 : i32
    %dma_wait3A_46 = tpu.memref_slice %arg5[%dma_wait3A_44, %dma_wait3A_45] : memref<204800x128xf32, #tpu.memory_space<hbm>> -> memref<80x128xf32, #tpu.memory_space<hbm>>
    %dma_wait3A_47 = tpu.memref_slice %arg14[%dma_wait3A_43] : memref<5x!tpu.dma_semaphore, #tpu.memory_space<semaphore_mem>> -> memref<1x!tpu.dma_semaphore, #tpu.memory_space<semaphore_mem>>
    %dma_wait3A_48 = tpu.memref_squeeze %dma_wait3A_47 : memref<1x!tpu.dma_semaphore, #tpu.memory_space<semaphore_mem>> -> memref<!tpu.dma_semaphore, #tpu.memory_space<semaphore_mem>>
    %dma_wait3A_49 = arith.constant 0 : i32
    %dma_wait3A_50 = arith.constant 0 : i32
    %dma_wait3A_51 = tpu.memref_slice %arg5[%dma_wait3A_49, %dma_wait3A_50] : memref<204800x128xf32, #tpu.memory_space<hbm>> -> memref<80x128xf32, #tpu.memory_space<hbm>>
    tpu.wait_dma2 semaphore(%dma_wait3A_48 : memref<!tpu.dma_semaphore, #tpu.memory_space<semaphore_mem>>) src(%arg9 : memref<80x128xf32, #tpu.memory_space<vmem>>) dst(%dma_wait3A_51 : memref<80x128xf32, #tpu.memory_space<hbm>>)
    %dma_wait3A_52 = arith.constant 2 : i32
    %dma_wait3A_53 = arith.constant 0 : i32
    %dma_wait3A_54 = arith.constant 0 : i32
    %dma_wait3A_55 = tpu.memref_slice %arg5[%dma_wait3A_53, %dma_wait3A_54] : memref<204800x128xf32, #tpu.memory_space<hbm>> -> memref<80x128xf32, #tpu.memory_space<hbm>>
    %dma_wait3A_56 = tpu.memref_slice %arg14[%dma_wait3A_52] : memref<5x!tpu.dma_semaphore, #tpu.memory_space<semaphore_mem>> -> memref<1x!tpu.dma_semaphore, #tpu.memory_space<semaphore_mem>>
    %dma_wait3A_57 = tpu.memref_squeeze %dma_wait3A_56 : memref<1x!tpu.dma_semaphore, #tpu.memory_space<semaphore_mem>> -> memref<!tpu.dma_semaphore, #tpu.memory_space<semaphore_mem>>
    %dma_wait3A_58 = arith.constant 0 : i32
    %dma_wait3A_59 = arith.constant 0 : i32
    %dma_wait3A_60 = tpu.memref_slice %arg5[%dma_wait3A_58, %dma_wait3A_59] : memref<204800x128xf32, #tpu.memory_space<hbm>> -> memref<80x128xf32, #tpu.memory_space<hbm>>
    tpu.wait_dma2 semaphore(%dma_wait3A_57 : memref<!tpu.dma_semaphore, #tpu.memory_space<semaphore_mem>>) src(%arg10 : memref<80x128xf32, #tpu.memory_space<vmem>>) dst(%dma_wait3A_60 : memref<80x128xf32, #tpu.memory_space<hbm>>)
    %dma_wait3A_61 = arith.constant 3 : i32
    %dma_wait3A_62 = arith.constant 0 : i32
    %dma_wait3A_63 = arith.constant 0 : i32
    %dma_wait3A_64 = tpu.memref_slice %arg5[%dma_wait3A_62, %dma_wait3A_63] : memref<204800x128xf32, #tpu.memory_space<hbm>> -> memref<80x128xf32, #tpu.memory_space<hbm>>
    %dma_wait3A_65 = tpu.memref_slice %arg14[%dma_wait3A_61] : memref<5x!tpu.dma_semaphore, #tpu.memory_space<semaphore_mem>> -> memref<1x!tpu.dma_semaphore, #tpu.memory_space<semaphore_mem>>
    %dma_wait3A_66 = tpu.memref_squeeze %dma_wait3A_65 : memref<1x!tpu.dma_semaphore, #tpu.memory_space<semaphore_mem>> -> memref<!tpu.dma_semaphore, #tpu.memory_space<semaphore_mem>>
    %dma_wait3A_67 = arith.constant 0 : i32
    %dma_wait3A_68 = arith.constant 0 : i32
    %dma_wait3A_69 = tpu.memref_slice %arg5[%dma_wait3A_67, %dma_wait3A_68] : memref<204800x128xf32, #tpu.memory_space<hbm>> -> memref<80x128xf32, #tpu.memory_space<hbm>>
    tpu.wait_dma2 semaphore(%dma_wait3A_66 : memref<!tpu.dma_semaphore, #tpu.memory_space<semaphore_mem>>) src(%arg11 : memref<80x128xf32, #tpu.memory_space<vmem>>) dst(%dma_wait3A_69 : memref<80x128xf32, #tpu.memory_space<hbm>>)
    %dma_wait3A_70 = arith.constant 4 : i32
    %dma_wait3A_71 = arith.constant 0 : i32
    %dma_wait3A_72 = arith.constant 0 : i32
    %dma_wait3A_73 = tpu.memref_slice %arg5[%dma_wait3A_71, %dma_wait3A_72] : memref<204800x128xf32, #tpu.memory_space<hbm>> -> memref<80x128xf32, #tpu.memory_space<hbm>>
    %dma_wait3A_74 = tpu.memref_slice %arg14[%dma_wait3A_70] : memref<5x!tpu.dma_semaphore, #tpu.memory_space<semaphore_mem>> -> memref<1x!tpu.dma_semaphore, #tpu.memory_space<semaphore_mem>>
    %dma_wait3A_75 = tpu.memref_squeeze %dma_wait3A_74 : memref<1x!tpu.dma_semaphore, #tpu.memory_space<semaphore_mem>> -> memref<!tpu.dma_semaphore, #tpu.memory_space<semaphore_mem>>
    %dma_wait3A_76 = arith.constant 0 : i32
    %dma_wait3A_77 = arith.constant 0 : i32
    %dma_wait3A_78 = tpu.memref_slice %arg5[%dma_wait3A_76, %dma_wait3A_77] : memref<204800x128xf32, #tpu.memory_space<hbm>> -> memref<80x128xf32, #tpu.memory_space<hbm>>
    tpu.wait_dma2 semaphore(%dma_wait3A_75 : memref<!tpu.dma_semaphore, #tpu.memory_space<semaphore_mem>>) src(%arg12 : memref<80x128xf32, #tpu.memory_space<vmem>>) dst(%dma_wait3A_78 : memref<80x128xf32, #tpu.memory_space<hbm>>)
    return
  }
}

</mosaic_0001>

<sc_bundles>
// kernel: kernel.3.cloned.1.call-start
scs
__scs_entry_jumppad:
0x0: {  	(pc) =	sbr.rel $0x88, $3  }
0x1: {  	(tag) =	ssettag $0x0;
	lr =	simm.s32 $0x1  }
0x2: {  	[smem:$0x3F9E] =	sst lr;
	_ =	strace $0xD0000000  }
0x3: {  	_ = 	snop  }
0x4: {  	_ = 	snop  }
0x5: {  	_ = 	snop  }
0x6: {  	_ = 	snop  }
0x7: {  	_ = 	snop  }
__scs_overlays_trampoline_lowered:
0x8: {  	[smem:$0x3FAD] =	sst s0  }
0x9: {  	[smem:$0x3FAE] =	sst s1  }
0xa: {  	[smem:$0x3FAF] =	sst s2  }
0xb: {  	[smem:$0x3FB0] =	sst s3  }
0xc: {  	[smem:$0x3FB1] =	sst s4  }
0xd: {  	[smem:$0x3FB2] =	sst s5  }
0xe: {  	[smem:$0x3FB3] =	sst s6  }
0xf: {  	[smem:$0x3FB4] =	sst s7  }
0x10: {  	[smem:$0x3FB5] =	sst s8  }
0x11: {  	[smem:$0x3FB6] =	sst s9;
	s0 =	simm.s32 @!p0 $0x0  }
0x12: {  	s1 =	sld [smem:$0x3F9C];
	s0 =	simm.s32 @p0 $0x1  }
0x13: {  	[smem:$0x3FB7] =	sst s0;
	s0 =	simm.s32 @!p1 $0x0  }
0x14: {  	s2 =	sld [smem:$0x3F9B];
	s0 =	simm.s32 @p1 $0x1  }
0x15: {  	[smem:$0x3FB8] =	sst s0;
	s0 =	simm.s32 @!p2 $0x0  }
0x16: {  	s3 =	sld [smem:$0x3FDB];
	s0 =	simm.s32 @p2 $0x1  }
0x17: {  	s4 =	simm.s32 $0x1BF5;
	[smem:$0x3FBA] =	sst s0  }
0x18: {  	s0 =	sld [smem:$0x3F9D];
	_ =	swait.ge [sflag:s4], $0x0  }
0x19: {  	s7 =	sld [smem:$0x3F9E]  }
0x1a: {  	s8 =	sadd.s32 $0xFFFFE003, lr  }
0x1b: {  	s9 =	sadd.s32 $0xFFFFFEF7, lr;
	s5 =	simm.s32 $0xFFFFFFFF;
	p2 =	slt.u32 s8, $0xFFFFF086  }
0x1c: {  	p1 =	slt.u32 s9, $0xF7A;
	s5 =	simm.s32 @!p2 $0x0  }
0x1d: {  	s5 =	simm.s32 @p1 $0x1;
	p0 =	seq.s32 s7, s2  }
0x1e: {  	s7 =	smul.u32 @!p0 $0xF7A, s2;
	p2 =	seq.s32 @!p0 s5, $0x0  }
0x1f: {  	s9 =	smul.u32 $0xF7A, s1;
	s8 =	simm.s32 @!p0 $0x1BF5;
	p2 =	por !p2, p0  }
0x20: {  	[sflag:s8] =	ssyncset.s32 @!p0 $0xFFFFF086;
	s6 =	sadd.s32 @!p0 s3, s7;
	s7 =	simm.s32 @!p0 $0x108  }
0x21: {  	s3 =	sadd.s32 s3, s9;
	s6 =	sadd.s32 @!p0 $0x88, s6;
	s7 =	simm.s32 @p2 $0x1082  }
0x22: {  	[simem:s7], [sflag:s8] =	dma.local @!p0 [hbm:s6], $0xF7A  }
0x23: {  	s9 =	sor.u32 $0xD0000000, s2;
	s6 =	simm.s32 $0x108;
	_ =	swait.ge @!p0 [sflag:s8], $0x0  }
0x24: {  	s3 =	sadd.s32 $0x88, s3;
	s6 =	simm.s32 @!p1 $0x1082;
	[sflag:s4] =	ssyncset.s32 $0xFFFFF086  }
0x25: {  	[simem:s6], [sflag:s4] =	dma.local [hbm:s3], $0xF7A  }
0x26: {  	[smem:$0x3F9E] =	sst s1;
	(tag) =	ssettag s2;
	_ =	strace s9  }
0x27: {  	s1 =	sld [smem:$0x3FAE]  }
0x28: {  	s2 =	sld [smem:$0x3FAF]  }
0x29: {  	s4 =	sld [smem:$0x3FB1]  }
0x2a: {  	p0 =	seq.s32 s5, $0x0;
	s5 =	sld [smem:$0x3FB2]  }
0x2b: {  	s6 =	sld [smem:$0x3FB3]  }
0x2c: {  	s7 =	sld [smem:$0x3FB4]  }
0x2d: {  	s3 =	simm.s32 $0x108;
	s8 =	sld [smem:$0x3FB5]  }
0x2e: {  	s3 =	simm.s32 @!p0 $0x1082;
	s9 =	sld [smem:$0x3FB6]  }
0x2f: {  	lr =	sadd.s32 s0, s3;
	s0 =	sld [smem:$0x3FAD]  }
0x30: {  	s3 =	sld [smem:$0x3FB0]  }
0x31: {  	[smem:$0x3FB9] =	sst s10  }
0x32: {  	s10 =	sld [smem:$0x3FB7];
	_ =	sdelay $0x3  }
0x33: {  	p0 =	seq.s32 s10, $0x1;
	s10 =	sld [smem:$0x3FB9];
	_ =	sdelay $0x3  }
0x34: {  	[smem:$0x3FB9] =	sst s10  }
0x35: {  	s10 =	sld [smem:$0x3FB8];
	_ =	sdelay $0x3  }
0x36: {  	p1 =	seq.s32 s10, $0x1;
	s10 =	sld [smem:$0x3FB9];
	_ =	sdelay $0x3  }
0x37: {  	[smem:$0x3FB9] =	sst s10  }
0x38: {  	s10 =	sld [smem:$0x3FBA]  }
0x39: {  	_ = 	snop;
	(pc) =	sbr.ind lr, $3  }
0x3a: {  	_ = 	snop  }
0x3b: {  	_ = 	snop  }
0x3c: {  	p2 =	seq.s32 s10, $0x1;
	s10 =	sld [smem:$0x3FB9]  }
0x3d: {  	_ =	shalt  }
0x3e: {  	_ =	shalt  }
0x3f: {  	_ =	shalt  }
0x40: {  	_ =	shalt  }
0x41: {  	_ =	shalt  }
0x42: {  	_ =	shalt  }
0x43: {  	_ =	shalt  }
0x44: {  	_ =	shalt  }
0x45: {  	_ =	shalt  }
0x46: {  	_ =	shalt  }
0x47: {  	_ =	shalt  }
0x48: {  	_ =	shalt  }
0x49: {  	_ =	shalt  }
0x4a: {  	_ =	shalt  }
0x4b: {  	_ =	shalt  }
0x4c: {  	_ =	shalt  }
0x4d: {  	_ =	shalt  }
0x4e: {  	_ =	shalt  }
0x4f: {  	_ =	shalt  }
0x50: {  	_ =	shalt  }
0x51: {  	_ =	shalt  }
0x52: {  	_ =	shalt  }
0x53: {  	_ =	shalt  }
0x54: {  	_ =	shalt  }
0x55: {  	_ =	shalt  }
0x56: {  	_ =	shalt  }
0x57: {  	_ =	shalt  }
0x58: {  	_ =	shalt  }
0x59: {  	_ =	shalt  }
0x5a: {  	_ =	shalt  }
0x5b: {  	_ =	shalt  }
0x5c: {  	_ =	shalt  }
0x5d: {  	_ =	shalt  }
0x5e: {  	_ =	shalt  }
0x5f: {  	_ =	shalt  }
0x60: {  	_ =	shalt  }
0x61: {  	_ =	shalt  }
0x62: {  	_ =	shalt  }
0x63: {  	_ =	shalt  }
0x64: {  	_ =	shalt  }
0x65: {  	_ =	shalt  }
0x66: {  	_ =	shalt  }
0x67: {  	_ =	shalt  }
0x68: {  	_ =	shalt  }
0x69: {  	_ =	shalt  }
0x6a: {  	_ =	shalt  }
0x6b: {  	_ =	shalt  }
0x6c: {  	_ =	shalt  }
0x6d: {  	_ =	shalt  }
0x6e: {  	_ =	shalt  }
0x6f: {  	_ =	shalt  }
0x70: {  	_ =	shalt  }
0x71: {  	_ =	shalt  }
0x72: {  	_ =	shalt  }
0x73: {  	_ =	shalt  }
0x74: {  	_ =	shalt  }
0x75: {  	_ =	shalt  }
0x76: {  	_ =	shalt  }
0x77: {  	_ =	shalt  }
0x78: {  	_ =	shalt  }
0x79: {  	_ =	shalt  }
0x7a: {  	_ =	shalt  }
0x7b: {  	_ =	shalt  }
0x7c: {  	_ =	shalt  }
0x7d: {  	_ =	shalt  }
0x7e: {  	_ =	shalt  }
0x7f: {  	_ =	shalt  }
0x80: {  	_ =	shalt  }
0x81: {  	_ =	shalt  }
0x82: {  	_ =	shalt  }
0x83: {  	_ =	shalt  }
0x84: {  	_ =	shalt  }
0x85: {  	_ =	shalt  }
0x86: {  	_ =	shalt  }
0x87: {  	_ =	shalt  }
.Lfunc_end0:
.L_simem_size_0:
called_computation_lowered:
.L_overlay_start_0:
0x88: {  	s2 =	sld [smem:$0x3FD9]  }
0x89: {  	s3 =	sld [smem:$0x3FFE];
	_ =	sdelay $0x1  }
0x8a: {  	s1 =	srdreg.scid  }
0x8b: {  	s0 =	sand.u32 $0x1, s1  }
0x8c: {  	s17 =	sshll.u32 s0, $0xA;
	s2 =	sadd.s32 s3, s2  }
0x8d: {  	s2 =	sadd.s32 s2, s17  }
0x8e: {  	[smem:$0x3FC5] =	sst s2  }
0x8f: {  	_ = 	snop  }
0x90: {  	s2 =	sld [smem:$0x3FC8]  }
0x91: {  	s18 =	sld [smem:$0x3FC7]  }
0x92: {  	s4 =	sld [smem:$0x3FD0];
	(tm) =	ssettm $0x1  }
0x93: {  	s5 =	sld [smem:$0x3FFB];
	_ =	sdelay $0x3  }
0x94: {  	_ =	strace s5  }
0x95: {  	s5 =	sld [smem:$0x3FFC];
	_ =	sdelay $0x3  }
0x96: {  	_ =	strace s5  }
0x97: {  	s5 =	sld [smem:$0x3FFD];
	_ =	sdelay $0x3  }
0x98: {  	_ =	strace s5  }
0x99: {  	_ =	strace $0x8FFFFFFF  }
0x9a: {  	s19 =	sld [smem:$0x3FDB];
	_ =	sdelay $0x1  }
0x9b: {  	s6 =	simm.s32 $_scs_section_size  }
0x9c: {  	s7 =	simm.s32 $_size__tile_overlayer_lowered;
	s8 =	simm.s32 $_tile_overlayer_lowered  }
0x9d: {  	s22 =	simm.s32 $0x1BFF;
	s21 =	sshll.u32 s8, $0x1;
	s5 =	sadd.s32 s6, s19  }
0x9e: {  	s9 =	simm.s32 $0x0;
	s20 =	sshll.u32 s7, $0x1;
	s7 =	sadd.s32 s21, s5  }
0x9f: {  	[timem:s9], [sflag:s22] =	dma.local [hbm:s7], s20  }
0xa0: {  	_ =	swait.ge [sflag:s22], s20  }
0xa1: {  	s6 =	ssub.s32 $0x0, s20;
	[sflag:s22] =	ssyncset.done $0x0  }
0xa2: {  	[sflag:s22] =	ssyncadd.s32 s6;
	_ =	sdelay $0x1  }
0xa3: {  	s23 =	simm.s32 $0x1B8B  }
0xa4: {  	_ =	swait.ge [sflag:s23], $0x1  }
0xa5: {  	[sflag:s23] =	ssyncset.done $0x0  }
0xa6: {  	s25 =	simm.s32 $0x1B8E;
	s24 =	sld [smem:$0x3FFE];
	[sflag:s23] =	ssyncadd.s32 $0xFFFFFFFF  }
0xa7: {  	s26 =	simm.s32 $execute0_lowered;
	[smem:$0x3FD2] =	sst s25  }
0xa8: {  	s7 =	sshll.u32 s26, $0x1;
	_ =	strace $0x80000046;
	[dreg:$0x1] =	wrdreg $0xFFFFFFFF  }
0xa9: {  	s28 =	simm.s32 $_size_execute0_lowered;
	s5 =	sadd.s32 s5, s7;
	[dreg:$0x0] =	wrdreg $0x0  }
0xaa: {  	s7 =	sshll.u32 s28, $0x1;
	[dreg:$0x2] =	wrdreg s5  }
0xab: {  	[dreg:$0x3] =	wrdreg s7  }
0xac: {  	[dreg:$0x4] =	wrdreg $0xC0  }
0xad: {  	_ =	task [dreg:s9], $0x5FFFF  }
0xae: {  	[dreg:$0x1] =	wrdreg $0xFFFFFFFF  }
0xaf: {  	[dreg:$0x0] =	wrdreg $0x60  }
0xb0: {  	[dreg:$0x2] =	wrdreg s24  }
0xb1: {  	[dreg:$0x3] =	wrdreg s2  }
0xb2: {  	[dreg:$0x4] =	wrdreg s18  }
0xb3: {  	[dreg:$0x5] =	wrdreg s4  }
0xb4: {  	[dreg:$0x6] =	wrdreg $0x9  }
0xb5: {  	_ =	task.clear_ibuf [dreg:s9], $0x7FFFF;
	_ =	strace $0x90000046  }
0xb6: {  	s29 =	simm.s32 $0x9;
	_ =	strace $0x80000048  }
0xb7: {  	_ =	swait.ge [sflag:s29], $0x1  }
0xb8: {  	[sflag:s29] =	ssyncadd.s32 $0xFFFFFFFF  }
0xb9: {  	_ =	strace $0x90000048  }
0xba: {  	_ =	sfence  }
0xbb: {  	s30 =	sld [smem:$0x0];
	_ =	sdelay $0x2  }
0xbc: {  	s31 =	sshll.u32 s1, $0xD;
	s1 =	sshrl.u32 s1, $0x2  }
0xbd: {  	s3 =	sand.u32 $0x4000, s31;
	s1 =	sadd.s32 s1, s30  }
0xbe: {  	s0 =	sor.u32 s3, s0;
	s1 =	sshll.u32 s1, $0x11  }
0xbf: {  	s0 =	sor.u32 s1, s0  }
0xc0: {  	s0 =	sadd.s32 $0x8F2B, s0  }
0xc1: {  	[sflag:s0] =	ssyncadd.remote.s32 $0x1  }
0xc2: {  	_ =	sfence.sel $0xFFFF  }
0xc3: {  	[dreg:$0x0] =	wrdreg $0xFFFFFFFF;
	(pc) =	sbr.abs _section_cstart, $3  }
0xc4: {  	[dreg:$0x1] =	wrdreg $0xFFFFFFFF  }
0xc5: {  	_ =	task.clear_ibuf [dreg:s9], $0x2FFFF;
	_ =	strace $0x9FFFFFFF  }
0xc6: {  	(tm) =	ssettm $0x7FFFFFFF  }
0xc7: {  	_ =	shalt  }
tec
execute0_lowered:
.L_overlay_start_1:
0x0: {  	(tag) =	ssettag $0x1  }
0x1: {  	s0 =	rddreg [dreg:$0x0]  }
0x2: {  	s2 =	srdreg.scid;
	s1 =	rddreg [dreg:$0x1]  }
0x3: {  	s3 =	stileid.u32;
	s4 =	rddreg [dreg:$0x3]  }
0x4: {  	s6 =	simm.s32 $0x0;
	s2 =	sand.u32 $0x1, s2;
	s3 =	sshll.u32 s3, $0x1  }
0x5: {  	s12 =	simm.s32 $0x50;
	s3 =	sor.u32 s2, s3;
	s2 =	ssub.s32 $0x2, s2  }
0x6: {  	s11 =	simm.s32 $0xCD00;
	s5 =	smul.u32 $0x1900, s3;
	s7 =	sshrl.u32 s2, $0x1  }
0x7: {  	s10 =	simm.s32 $0xF500;
	[smem:$0x7FF] =	sst s6;
	s2 =	ssub.s32 s2, s7  }
0x8: {  	_ =	strace $0x80000047;
	s3 =	sshrl.u32 s5, $0x3;
	s30 =	smax.u32 s2, $0x1  }
0x9: {  	s31 =	sor.u32 $0x50, s5;
	s0 =	sadd.s32 s3, s0;
	[dreg:$0x6] =	wrdreg s30  }
0xa: {  	s13 =	simm.s32 $0x11D00;
	[dreg:$0x7] =	wrdreg s31;
	s0 =	sadd.s32 $0x400, s0  }
0xb: {  	s23 =	simm.s32 $0x5;
	s3 =	simm.s32 $0x0;
	[dreg:$0x5] =	wrdreg s0  }
.LBB2_1:
0xc: {  	[dreg:$0x8] =	wrdreg s3  }
0xd: {  	s0 =	rddreg [dreg:$0x5];
	s26 =	simm.s32 $0xC  }
0xe: {  	[tilespmem:s6], [sflag:$0xC] =	stream.linear.gather [hbm4b:s0+s6], $0x1900, $0x38;
	[tilespmem:$0x14500] =	vst v63  }
0xf: {  	_ =	swait.ge [sflag:s26], $0x1900  }
0x10: {  	[sflag:s26] =	ssyncset.done $0x0  }
0x11: {  	[sflag:s26] =	ssyncadd.s32 $0xFFFFE700  }
0x12: {  	s2 =	simm.s32 $0x1900;
	s0 =	rddreg [dreg:$0x2]  }
0x13: {  	[tilespmem:s2], [sflag:$0xB] =	stream.linear.gather [hbm4b:s0+s6], $0x6400, $0x38;
	[tilespmem:$0x14500] =	vst v63  }
0x14: {  	s28 =	simm.s32 $0x7D00  }
0x15: {  	[tilespmem:s28], [sflag:$0x1] =	stream.indirect.gather [hbm4b:s1+s12], $0x80, s6, s12, $0xb8;
	[tilespmem:$0x14500] =	vst v63  }
0x16: {  	s29 =	simm.s32 $0xA500;
	s30 =	simm.s32 $0xB  }
0x17: {  	[tilespmem:s29], [sflag:$0x2] =	stream.indirect.gather [hbm4b:s1+s12], $0x80, s12, s12, $0xb8;
	[tilespmem:$0x14500] =	vst v63  }
0x18: {  	_ =	swait.ge [sflag:s30], $0x6400  }
0x19: {  	[sflag:s30] =	ssyncset.done $0x0  }
0x1a: {  	s31 =	simm.s32 $0x0;
	[sflag:s30] =	ssyncadd.s32 $0xFFFF9C00  }
.LBB2_2:
0x1b: {  	s2 =	smul.u32 $0x5, s31  }
0x1c: {  	p0 =	seq.s32 s31, $0x0  }
0x1d: {  	s0 =	simm.s32 @!p0 $0x8;
	s3 =	sadd.s32 $0x2, s2  }
0x1e: {  	_ =	swait.ge @!p0 [sflag:s0], $0x2800;
	s7 =	smul.u32 $0x140, s3  }
0x1f: {  	[sflag:s0] =	ssyncset.done @!p0 $0x0  }
0x20: {  	s30 =	simm.s32 $0x1;
	[sflag:s0] =	ssyncadd.s32 @!p0 $0xFFFFD800;
	s29 =	sshra.s32 s7, $0x2  }
0x21: {  	[tilespmem:s11], [sflag:$0x3] =	stream.indirect.gather [hbm4b:s1+s12], $0x80, s29, s12, $0xb8;
	[tilespmem:$0x14500] =	vst v63  }
0x22: {  	_ =	swait.ge [sflag:s30], $0x2800  }
0x23: {  	[sflag:s30] =	ssyncset.done $0x0  }
0x24: {  	s0 =	simm.s32 $0x0;
	[sflag:s30] =	ssyncadd.s32 $0xFFFFD800  }
0x25: {  	v0 =	vld [tilespmem:s0+$0x1AF0]  }
0x26: {  	v1 =	vld [tilespmem:s0+$0x1900]  }
0x27: {  	v2 =	vld [tilespmem:s0+$0x1910]  }
0x28: {  	v3 =	vld [tilespmem:s0+$0x1920]  }
0x29: {  	v4 =	vld [tilespmem:s0+$0x1930]  }
0x2a: {  	v5 =	vld [tilespmem:s0+$0x1940]  }
0x2b: {  	v6 =	vld [tilespmem:s0+$0x1950]  }
0x2c: {  	v7 =	vld [tilespmem:s0+$0x1960]  }
0x2d: {  	v8 =	vld [tilespmem:s0+$0x1970]  }
0x2e: {  	v9 =	vld [tilespmem:s0+$0x1980]  }
0x2f: {  	v10 =	vld [tilespmem:s0+$0x1990]  }
0x30: {  	v11 =	vld [tilespmem:s0+$0x19A0]  }
0x31: {  	v12 =	vld [tilespmem:s0+$0x19B0]  }
0x32: {  	v13 =	vld [tilespmem:s0+$0x19C0]  }
0x33: {  	v14 =	vld [tilespmem:s0+$0x19D0]  }
0x34: {  	v15 =	vld [tilespmem:s0+$0x19E0]  }
0x35: {  	v16 =	vld [tilespmem:s0+$0x19F0]  }
0x36: {  	v17 =	vld [tilespmem:s0+$0x1A00]  }
0x37: {  	v18 =	vld [tilespmem:s0+$0x1A10]  }
0x38: {  	v19 =	vld [tilespmem:s0+$0x1A20]  }
0x39: {  	v20 =	vld [tilespmem:s0+$0x1A30]  }
0x3a: {  	v21 =	vld [tilespmem:s0+$0x1A40]  }
0x3b: {  	v22 =	vld [tilespmem:s0+$0x1A50]  }
0x3c: {  	v23 =	vld [tilespmem:s0+$0x1A60]  }
0x3d: {  	v24 =	vld [tilespmem:s0+$0x1A70]  }
0x3e: {  	v25 =	vld [tilespmem:s0+$0x1A80]  }
0x3f: {  	v26 =	vld [tilespmem:s0+$0x1A90]  }
0x40: {  	v27 =	vld [tilespmem:s0+$0x1AA0]  }
0x41: {  	v28 =	vld [tilespmem:s0+$0x1AB0]  }
0x42: {  	v29 =	vld [tilespmem:s0+$0x1AC0]  }
0x43: {  	v30 =	vld [tilespmem:s0+$0x1AD0]  }
0x44: {  	[tilespmem:s0+$0x7EF0] =	vst.add.f32.msk $0xffff, v0  }
0x45: {  	v0 =	vld [tilespmem:s0+$0x1AE0]  }
0x46: {  	[tilespmem:s0+$0x7D00] =	vst.add.f32.msk $0xffff, v1  }
0x47: {  	[tilespmem:s0+$0x7D10] =	vst.add.f32.msk $0xffff, v2  }
0x48: {  	[tilespmem:s0+$0x7D20] =	vst.add.f32.msk $0xffff, v3  }
0x49: {  	[tilespmem:s0+$0x7D30] =	vst.add.f32.msk $0xffff, v4  }
0x4a: {  	[tilespmem:s0+$0x7D40] =	vst.add.f32.msk $0xffff, v5  }
0x4b: {  	[tilespmem:s0+$0x7D50] =	vst.add.f32.msk $0xffff, v6  }
0x4c: {  	[tilespmem:s0+$0x7D60] =	vst.add.f32.msk $0xffff, v7  }
0x4d: {  	[tilespmem:s0+$0x7D70] =	vst.add.f32.msk $0xffff, v8  }
0x4e: {  	[tilespmem:s0+$0x7D80] =	vst.add.f32.msk $0xffff, v9  }
0x4f: {  	[tilespmem:s0+$0x7D90] =	vst.add.f32.msk $0xffff, v10  }
0x50: {  	[tilespmem:s0+$0x7DA0] =	vst.add.f32.msk $0xffff, v11  }
0x51: {  	[tilespmem:s0+$0x7DB0] =	vst.add.f32.msk $0xffff, v12  }
0x52: {  	[tilespmem:s0+$0x7DC0] =	vst.add.f32.msk $0xffff, v13  }
0x53: {  	[tilespmem:s0+$0x7DD0] =	vst.add.f32.msk $0xffff, v14  }
0x54: {  	[tilespmem:s0+$0x7DE0] =	vst.add.f32.msk $0xffff, v15  }
0x55: {  	[tilespmem:s0+$0x7DF0] =	vst.add.f32.msk $0xffff, v16  }
0x56: {  	[tilespmem:s0+$0x7E00] =	vst.add.f32.msk $0xffff, v17  }
0x57: {  	[tilespmem:s0+$0x7E10] =	vst.add.f32.msk $0xffff, v18  }
0x58: {  	[tilespmem:s0+$0x7E20] =	vst.add.f32.msk $0xffff, v19  }
0x59: {  	[tilespmem:s0+$0x7E30] =	vst.add.f32.msk $0xffff, v20  }
0x5a: {  	[tilespmem:s0+$0x7E40] =	vst.add.f32.msk $0xffff, v21  }
0x5b: {  	[tilespmem:s0+$0x7E50] =	vst.add.f32.msk $0xffff, v22  }
0x5c: {  	[tilespmem:s0+$0x7E60] =	vst.add.f32.msk $0xffff, v23  }
0x5d: {  	[tilespmem:s0+$0x7E70] =	vst.add.f32.msk $0xffff, v24  }
0x5e: {  	[tilespmem:s0+$0x7E80] =	vst.add.f32.msk $0xffff, v25  }
0x5f: {  	[tilespmem:s0+$0x7E90] =	vst.add.f32.msk $0xffff, v26  }
0x60: {  	[tilespmem:s0+$0x7EA0] =	vst.add.f32.msk $0xffff, v27  }
0x61: {  	[tilespmem:s0+$0x7EB0] =	vst.add.f32.msk $0xffff, v28  }
0x62: {  	[tilespmem:s0+$0x7EC0] =	vst.add.f32.msk $0xffff, v29  }
0x63: {  	s8 =	simm.s32 $0x800;
	s7 =	simm.s32 $0x0;
	[tilespmem:s0+$0x7ED0] =	vst.add.f32.msk $0xffff, v30  }
.LBB2_3:
0x64: {  	s7 =	sadd.s32 $0x4, s7;
	[tilespmem:s0+$0x7EE0] =	vst.add.f32.msk $0xffff, v0;
	s0 =	sshra.s32 s8, $0x2  }
0x65: {  	v0 =	vld [tilespmem:s0+$0x1AF0];
	p1 =	slt.u32 s7, $0x4C  }
0x66: {  	v1 =	vld [tilespmem:s0+$0x1900]  }
0x67: {  	v2 =	vld [tilespmem:s0+$0x1910]  }
0x68: {  	v3 =	vld [tilespmem:s0+$0x1920]  }
0x69: {  	v4 =	vld [tilespmem:s0+$0x1930]  }
0x6a: {  	[tilespmem:s0+$0x7EF0] =	vst.add.f32.msk $0xffff, v0  }
0x6b: {  	v5 =	vld [tilespmem:s0+$0x1940]  }
0x6c: {  	v6 =	vld [tilespmem:s0+$0x1950]  }
0x6d: {  	v7 =	vld [tilespmem:s0+$0x1960]  }
0x6e: {  	v8 =	vld [tilespmem:s0+$0x1970]  }
0x6f: {  	v9 =	vld [tilespmem:s0+$0x1980]  }
0x70: {  	v10 =	vld [tilespmem:s0+$0x1990]  }
0x71: {  	v11 =	vld [tilespmem:s0+$0x19A0]  }
0x72: {  	v12 =	vld [tilespmem:s0+$0x19B0]  }
0x73: {  	v13 =	vld [tilespmem:s0+$0x19C0]  }
0x74: {  	v14 =	vld [tilespmem:s0+$0x19D0]  }
0x75: {  	v15 =	vld [tilespmem:s0+$0x19E0]  }
0x76: {  	v16 =	vld [tilespmem:s0+$0x19F0]  }
0x77: {  	v17 =	vld [tilespmem:s0+$0x1A00]  }
0x78: {  	v18 =	vld [tilespmem:s0+$0x1A10]  }
0x79: {  	v19 =	vld [tilespmem:s0+$0x1A20]  }
0x7a: {  	v20 =	vld [tilespmem:s0+$0x1A30]  }
0x7b: {  	v21 =	vld [tilespmem:s0+$0x1A40]  }
0x7c: {  	v22 =	vld [tilespmem:s0+$0x1A50]  }
0x7d: {  	v23 =	vld [tilespmem:s0+$0x1A60]  }
0x7e: {  	v24 =	vld [tilespmem:s0+$0x1A70]  }
0x7f: {  	v25 =	vld [tilespmem:s0+$0x1A80]  }
0x80: {  	v26 =	vld [tilespmem:s0+$0x1A90]  }
0x81: {  	v27 =	vld [tilespmem:s0+$0x1AA0]  }
0x82: {  	v28 =	vld [tilespmem:s0+$0x1AB0]  }
0x83: {  	v29 =	vld [tilespmem:s0+$0x1AC0]  }
0x84: {  	v30 =	vld [tilespmem:s0+$0x1AD0]  }
0x85: {  	v0 =	vld [tilespmem:s0+$0x1AE0]  }
0x86: {  	[tilespmem:s0+$0x7D00] =	vst.add.f32.msk $0xffff, v1  }
0x87: {  	[tilespmem:s0+$0x7D10] =	vst.add.f32.msk $0xffff, v2  }
0x88: {  	[tilespmem:s0+$0x7D20] =	vst.add.f32.msk $0xffff, v3  }
0x89: {  	[tilespmem:s0+$0x7D30] =	vst.add.f32.msk $0xffff, v4  }
0x8a: {  	[tilespmem:s0+$0x7D40] =	vst.add.f32.msk $0xffff, v5  }
0x8b: {  	[tilespmem:s0+$0x7D50] =	vst.add.f32.msk $0xffff, v6  }
0x8c: {  	[tilespmem:s0+$0x7D60] =	vst.add.f32.msk $0xffff, v7  }
0x8d: {  	[tilespmem:s0+$0x7D70] =	vst.add.f32.msk $0xffff, v8  }
0x8e: {  	[tilespmem:s0+$0x7D80] =	vst.add.f32.msk $0xffff, v9  }
0x8f: {  	[tilespmem:s0+$0x7D90] =	vst.add.f32.msk $0xffff, v10  }
0x90: {  	[tilespmem:s0+$0x7DA0] =	vst.add.f32.msk $0xffff, v11  }
0x91: {  	[tilespmem:s0+$0x7DB0] =	vst.add.f32.msk $0xffff, v12  }
0x92: {  	[tilespmem:s0+$0x7DC0] =	vst.add.f32.msk $0xffff, v13  }
0x93: {  	[tilespmem:s0+$0x7DD0] =	vst.add.f32.msk $0xffff, v14  }
0x94: {  	[tilespmem:s0+$0x7DE0] =	vst.add.f32.msk $0xffff, v15  }
0x95: {  	[tilespmem:s0+$0x7DF0] =	vst.add.f32.msk $0xffff, v16  }
0x96: {  	[tilespmem:s0+$0x7E00] =	vst.add.f32.msk $0xffff, v17  }
0x97: {  	[tilespmem:s0+$0x7E10] =	vst.add.f32.msk $0xffff, v18  }
0x98: {  	[tilespmem:s0+$0x7E20] =	vst.add.f32.msk $0xffff, v19  }
0x99: {  	[tilespmem:s0+$0x7E30] =	vst.add.f32.msk $0xffff, v20  }
0x9a: {  	[tilespmem:s0+$0x7E40] =	vst.add.f32.msk $0xffff, v21  }
0x9b: {  	[tilespmem:s0+$0x7E50] =	vst.add.f32.msk $0xffff, v22  }
0x9c: {  	[tilespmem:s0+$0x7E60] =	vst.add.f32.msk $0xffff, v23  }
0x9d: {  	[tilespmem:s0+$0x7E70] =	vst.add.f32.msk $0xffff, v24  }
0x9e: {  	[tilespmem:s0+$0x7E80] =	vst.add.f32.msk $0xffff, v25  }
.Ltmp0:
0x9f: {  	[tilespmem:s0+$0x7E90] =	vst.add.f32.msk $0xffff, v26;
	(pc) =	sbr.rel @p1 .LBB2_3-.Ltmp0, $4  }
0xa0: {  	[tilespmem:s0+$0x7EA0] =	vst.add.f32.msk $0xffff, v27  }
0xa1: {  	[tilespmem:s0+$0x7EB0] =	vst.add.f32.msk $0xffff, v28  }
0xa2: {  	[tilespmem:s0+$0x7EC0] =	vst.add.f32.msk $0xffff, v29  }
0xa3: {  	s8 =	sadd.s32 $0x800, s8;
	[tilespmem:s0+$0x7ED0] =	vst.add.f32.msk $0xffff, v30  }
0xa4: {  	s7 =	smul.u32 $0x190, s31;
	_ =	sdelay $0x1  }
0xa5: {  	s8 =	sadd.s32 s5, s7  }
0xa6: {  	s28 =	simm.s32 $0x7D00;
	s8 =	sshll.u32 s8, $0x4  }
0xa7: {  	[tilespmem:s0+$0x7EE0] =	vst.add.f32.msk $0xffff, v0;
	s0 =	sadd.s32 $0x3, s2;
	s26 =	sadd.s32 s4, s8;
	s8 =	simm.s32 @!p0 $0x9  }
0xa8: {  	[hbm4b:s26+s6] =	stream.linear.scatter [tilespmem:s28], [sflag:$0x6], $0x2800, $0x38;
	[tilespmem:$0x14500] =	vst v63  }
0xa9: {  	s9 =	smul.u32 $0x140, s0;
	_ =	swait.ge @!p0 [sflag:s8], $0x2800  }
0xaa: {  	[sflag:s8] =	ssyncset.done @!p0 $0x0  }
0xab: {  	s30 =	simm.s32 $0x2;
	s29 =	sshra.s32 s9, $0x2;
	[sflag:s8] =	ssyncadd.s32 @!p0 $0xFFFFD800  }
0xac: {  	[tilespmem:s10], [sflag:$0x4] =	stream.indirect.gather [hbm4b:s1+s12], $0x80, s29, s12, $0xb8;
	[tilespmem:$0x14500] =	vst v63  }
0xad: {  	_ =	swait.ge [sflag:s30], $0x2800  }
0xae: {  	[sflag:s30] =	ssyncset.done $0x0  }
0xaf: {  	s8 =	simm.s32 $0x0;
	[sflag:s30] =	ssyncadd.s32 $0xFFFFD800  }
0xb0: {  	v0 =	vld [tilespmem:s8+$0x42F0]  }
0xb1: {  	v1 =	vld [tilespmem:s8+$0x4100]  }
0xb2: {  	v2 =	vld [tilespmem:s8+$0x4110]  }
0xb3: {  	v3 =	vld [tilespmem:s8+$0x4120]  }
0xb4: {  	v4 =	vld [tilespmem:s8+$0x4130]  }
0xb5: {  	v5 =	vld [tilespmem:s8+$0x4140]  }
0xb6: {  	v6 =	vld [tilespmem:s8+$0x4150]  }
0xb7: {  	v7 =	vld [tilespmem:s8+$0x4160]  }
0xb8: {  	v8 =	vld [tilespmem:s8+$0x4170]  }
0xb9: {  	v9 =	vld [tilespmem:s8+$0x4180]  }
0xba: {  	v10 =	vld [tilespmem:s8+$0x4190]  }
0xbb: {  	v11 =	vld [tilespmem:s8+$0x41A0]  }
0xbc: {  	v12 =	vld [tilespmem:s8+$0x41B0]  }
0xbd: {  	v13 =	vld [tilespmem:s8+$0x41C0]  }
0xbe: {  	v14 =	vld [tilespmem:s8+$0x41D0]  }
0xbf: {  	v15 =	vld [tilespmem:s8+$0x41E0]  }
0xc0: {  	v16 =	vld [tilespmem:s8+$0x41F0]  }
0xc1: {  	v17 =	vld [tilespmem:s8+$0x4200]  }
0xc2: {  	v18 =	vld [tilespmem:s8+$0x4210]  }
0xc3: {  	v19 =	vld [tilespmem:s8+$0x4220]  }
0xc4: {  	v20 =	vld [tilespmem:s8+$0x4230]  }
0xc5: {  	v21 =	vld [tilespmem:s8+$0x4240]  }
0xc6: {  	v22 =	vld [tilespmem:s8+$0x4250]  }
0xc7: {  	v23 =	vld [tilespmem:s8+$0x4260]  }
0xc8: {  	v24 =	vld [tilespmem:s8+$0x4270]  }
0xc9: {  	v25 =	vld [tilespmem:s8+$0x4280]  }
0xca: {  	v26 =	vld [tilespmem:s8+$0x4290]  }
0xcb: {  	v27 =	vld [tilespmem:s8+$0x42A0]  }
0xcc: {  	v28 =	vld [tilespmem:s8+$0x42B0]  }
0xcd: {  	v29 =	vld [tilespmem:s8+$0x42C0]  }
0xce: {  	v30 =	vld [tilespmem:s8+$0x42D0]  }
0xcf: {  	[tilespmem:s8+$0xA6F0] =	vst.add.f32.msk $0xffff, v0  }
0xd0: {  	v0 =	vld [tilespmem:s8+$0x42E0]  }
0xd1: {  	[tilespmem:s8+$0xA500] =	vst.add.f32.msk $0xffff, v1  }
0xd2: {  	[tilespmem:s8+$0xA510] =	vst.add.f32.msk $0xffff, v2  }
0xd3: {  	[tilespmem:s8+$0xA520] =	vst.add.f32.msk $0xffff, v3  }
0xd4: {  	[tilespmem:s8+$0xA530] =	vst.add.f32.msk $0xffff, v4  }
0xd5: {  	[tilespmem:s8+$0xA540] =	vst.add.f32.msk $0xffff, v5  }
0xd6: {  	[tilespmem:s8+$0xA550] =	vst.add.f32.msk $0xffff, v6  }
0xd7: {  	[tilespmem:s8+$0xA560] =	vst.add.f32.msk $0xffff, v7  }
0xd8: {  	[tilespmem:s8+$0xA570] =	vst.add.f32.msk $0xffff, v8  }
0xd9: {  	[tilespmem:s8+$0xA580] =	vst.add.f32.msk $0xffff, v9  }
0xda: {  	[tilespmem:s8+$0xA590] =	vst.add.f32.msk $0xffff, v10  }
0xdb: {  	[tilespmem:s8+$0xA5A0] =	vst.add.f32.msk $0xffff, v11  }
0xdc: {  	[tilespmem:s8+$0xA5B0] =	vst.add.f32.msk $0xffff, v12  }
0xdd: {  	[tilespmem:s8+$0xA5C0] =	vst.add.f32.msk $0xffff, v13  }
0xde: {  	[tilespmem:s8+$0xA5D0] =	vst.add.f32.msk $0xffff, v14  }
0xdf: {  	[tilespmem:s8+$0xA5E0] =	vst.add.f32.msk $0xffff, v15  }
0xe0: {  	[tilespmem:s8+$0xA5F0] =	vst.add.f32.msk $0xffff, v16  }
0xe1: {  	[tilespmem:s8+$0xA600] =	vst.add.f32.msk $0xffff, v17  }
0xe2: {  	[tilespmem:s8+$0xA610] =	vst.add.f32.msk $0xffff, v18  }
0xe3: {  	[tilespmem:s8+$0xA620] =	vst.add.f32.msk $0xffff, v19  }
0xe4: {  	[tilespmem:s8+$0xA630] =	vst.add.f32.msk $0xffff, v20  }
0xe5: {  	[tilespmem:s8+$0xA640] =	vst.add.f32.msk $0xffff, v21  }
0xe6: {  	[tilespmem:s8+$0xA650] =	vst.add.f32.msk $0xffff, v22  }
0xe7: {  	[tilespmem:s8+$0xA660] =	vst.add.f32.msk $0xffff, v23  }
0xe8: {  	[tilespmem:s8+$0xA670] =	vst.add.f32.msk $0xffff, v24  }
0xe9: {  	[tilespmem:s8+$0xA680] =	vst.add.f32.msk $0xffff, v25  }
0xea: {  	[tilespmem:s8+$0xA690] =	vst.add.f32.msk $0xffff, v26  }
0xeb: {  	[tilespmem:s8+$0xA6A0] =	vst.add.f32.msk $0xffff, v27  }
0xec: {  	[tilespmem:s8+$0xA6B0] =	vst.add.f32.msk $0xffff, v28  }
0xed: {  	[tilespmem:s8+$0xA6C0] =	vst.add.f32.msk $0xffff, v29  }
0xee: {  	s11 =	simm.s32 $0x800;
	s10 =	simm.s32 $0x0;
	[tilespmem:s8+$0xA6D0] =	vst.add.f32.msk $0xffff, v30  }
.LBB2_5:
0xef: {  	s10 =	sadd.s32 $0x4, s10;
	[tilespmem:s8+$0xA6E0] =	vst.add.f32.msk $0xffff, v0;
	s8 =	sshra.s32 s11, $0x2  }
0xf0: {  	v0 =	vld [tilespmem:s8+$0x42F0];
	p1 =	slt.u32 s10, $0x4C  }
0xf1: {  	v1 =	vld [tilespmem:s8+$0x4100]  }
0xf2: {  	v2 =	vld [tilespmem:s8+$0x4110]  }
0xf3: {  	v3 =	vld [tilespmem:s8+$0x4120]  }
0xf4: {  	v4 =	vld [tilespmem:s8+$0x4130]  }
0xf5: {  	[tilespmem:s8+$0xA6F0] =	vst.add.f32.msk $0xffff, v0  }
0xf6: {  	v5 =	vld [tilespmem:s8+$0x4140]  }
0xf7: {  	v6 =	vld [tilespmem:s8+$0x4150]  }
0xf8: {  	v7 =	vld [tilespmem:s8+$0x4160]  }
0xf9: {  	v8 =	vld [tilespmem:s8+$0x4170]  }
0xfa: {  	v9 =	vld [tilespmem:s8+$0x4180]  }
0xfb: {  	v10 =	vld [tilespmem:s8+$0x4190]  }
0xfc: {  	v11 =	vld [tilespmem:s8+$0x41A0]  }
0xfd: {  	v12 =	vld [tilespmem:s8+$0x41B0]  }
0xfe: {  	v13 =	vld [tilespmem:s8+$0x41C0]  }
0xff: {  	v14 =	vld [tilespmem:s8+$0x41D0]  }
0x100: {  	v15 =	vld [tilespmem:s8+$0x41E0]  }
0x101: {  	v16 =	vld [tilespmem:s8+$0x41F0]  }
0x102: {  	v17 =	vld [tilespmem:s8+$0x4200]  }
0x103: {  	v18 =	vld [tilespmem:s8+$0x4210]  }
0x104: {  	v19 =	vld [tilespmem:s8+$0x4220]  }
0x105: {  	v20 =	vld [tilespmem:s8+$0x4230]  }
0x106: {  	v21 =	vld [tilespmem:s8+$0x4240]  }
0x107: {  	v22 =	vld [tilespmem:s8+$0x4250]  }
0x108: {  	v23 =	vld [tilespmem:s8+$0x4260]  }
0x109: {  	v24 =	vld [tilespmem:s8+$0x4270]  }
0x10a: {  	v25 =	vld [tilespmem:s8+$0x4280]  }
0x10b: {  	v26 =	vld [tilespmem:s8+$0x4290]  }
0x10c: {  	v27 =	vld [tilespmem:s8+$0x42A0]  }
0x10d: {  	v28 =	vld [tilespmem:s8+$0x42B0]  }
0x10e: {  	v29 =	vld [tilespmem:s8+$0x42C0]  }
0x10f: {  	v30 =	vld [tilespmem:s8+$0x42D0]  }
0x110: {  	v0 =	vld [tilespmem:s8+$0x42E0]  }
0x111: {  	[tilespmem:s8+$0xA500] =	vst.add.f32.msk $0xffff, v1  }
0x112: {  	[tilespmem:s8+$0xA510] =	vst.add.f32.msk $0xffff, v2  }
0x113: {  	[tilespmem:s8+$0xA520] =	vst.add.f32.msk $0xffff, v3  }
0x114: {  	[tilespmem:s8+$0xA530] =	vst.add.f32.msk $0xffff, v4  }
0x115: {  	[tilespmem:s8+$0xA540] =	vst.add.f32.msk $0xffff, v5  }
0x116: {  	[tilespmem:s8+$0xA550] =	vst.add.f32.msk $0xffff, v6  }
0x117: {  	[tilespmem:s8+$0xA560] =	vst.add.f32.msk $0xffff, v7  }
0x118: {  	[tilespmem:s8+$0xA570] =	vst.add.f32.msk $0xffff, v8  }
0x119: {  	[tilespmem:s8+$0xA580] =	vst.add.f32.msk $0xffff, v9  }
0x11a: {  	[tilespmem:s8+$0xA590] =	vst.add.f32.msk $0xffff, v10  }
0x11b: {  	[tilespmem:s8+$0xA5A0] =	vst.add.f32.msk $0xffff, v11  }
0x11c: {  	[tilespmem:s8+$0xA5B0] =	vst.add.f32.msk $0xffff, v12  }
0x11d: {  	[tilespmem:s8+$0xA5C0] =	vst.add.f32.msk $0xffff, v13  }
0x11e: {  	[tilespmem:s8+$0xA5D0] =	vst.add.f32.msk $0xffff, v14  }
0x11f: {  	[tilespmem:s8+$0xA5E0] =	vst.add.f32.msk $0xffff, v15  }
0x120: {  	[tilespmem:s8+$0xA5F0] =	vst.add.f32.msk $0xffff, v16  }
0x121: {  	[tilespmem:s8+$0xA600] =	vst.add.f32.msk $0xffff, v17  }
0x122: {  	[tilespmem:s8+$0xA610] =	vst.add.f32.msk $0xffff, v18  }
0x123: {  	[tilespmem:s8+$0xA620] =	vst.add.f32.msk $0xffff, v19  }
0x124: {  	[tilespmem:s8+$0xA630] =	vst.add.f32.msk $0xffff, v20  }
0x125: {  	[tilespmem:s8+$0xA640] =	vst.add.f32.msk $0xffff, v21  }
0x126: {  	[tilespmem:s8+$0xA650] =	vst.add.f32.msk $0xffff, v22  }
0x127: {  	[tilespmem:s8+$0xA660] =	vst.add.f32.msk $0xffff, v23  }
0x128: {  	[tilespmem:s8+$0xA670] =	vst.add.f32.msk $0xffff, v24  }
0x129: {  	[tilespmem:s8+$0xA680] =	vst.add.f32.msk $0xffff, v25  }
.Ltmp1:
0x12a: {  	[tilespmem:s8+$0xA690] =	vst.add.f32.msk $0xffff, v26;
	(pc) =	sbr.rel @p1 .LBB2_5-.Ltmp1, $4  }
0x12b: {  	[tilespmem:s8+$0xA6A0] =	vst.add.f32.msk $0xffff, v27  }
0x12c: {  	[tilespmem:s8+$0xA6B0] =	vst.add.f32.msk $0xffff, v28  }
0x12d: {  	[tilespmem:s8+$0xA6C0] =	vst.add.f32.msk $0xffff, v29  }
0x12e: {  	s11 =	sadd.s32 $0x800, s11;
	[tilespmem:s8+$0xA6D0] =	vst.add.f32.msk $0xffff, v30  }
0x12f: {  	s9 =	rddreg [dreg:$0x7]  }
0x130: {  	s7 =	sadd.s32 s9, s7  }
0x131: {  	s18 =	simm.s32 $0xA500;
	s7 =	sshll.u32 s7, $0x4  }
0x132: {  	[tilespmem:s8+$0xA6E0] =	vst.add.f32.msk $0xffff, v0;
	s2 =	sadd.s32 $0x4, s2;
	s21 =	simm.s32 $0x3;
	s7 =	sadd.s32 s4, s7  }
0x133: {  	[hbm4b:s7+s6] =	stream.linear.scatter [tilespmem:s18], [sflag:$0x7], $0x2800, $0x38;
	[tilespmem:$0x14500] =	vst v63  }
0x134: {  	p1 =	por $0x0, $0x0;
	s14 =	simm.s32 $0xFFFFED00;
	s7 =	simm.s32 @!p0 $0xA  }
0x135: {  	s16 =	simm.s32 $0xFFFFED80;
	s19 =	smul.u32 $0x140, s2;
	_ =	swait.ge @!p0 [sflag:s7], $0x2800  }
0x136: {  	s9 =	simm.s32 $0xFFFFEC80;
	s14 =	simm.s32 @!p1 $0x5100;
	[sflag:s7] =	ssyncset.done @!p0 $0x0  }
0x137: {  	s20 =	sshra.s32 s19, $0x2;
	[sflag:s7] =	ssyncadd.s32 @!p0 $0xFFFFD800;
	p0 =	por $0x0, $0x0  }
0x138: {  	[tilespmem:s13], [sflag:$0x5] =	stream.indirect.gather [hbm4b:s1+s12], $0x80, s20, s12, $0xb8;
	[tilespmem:$0x14500] =	vst v63  }
0x139: {  	s10 =	sshll.u32 s14, $0x2;
	s9 =	simm.s32 @!p0 $0x5080;
	p0 =	por $0x0, $0x0  }
0x13a: {  	s13 =	simm.s32 $0xFFFFEC00;
	_ =	swait.ge [sflag:s21], $0x2800;
	s22 =	sshll.u32 s9, $0x2  }
0x13b: {  	s13 =	simm.s32 @!p0 $0x5000;
	[sflag:s21] =	ssyncset.done $0x0;
	s7 =	sadd.s32 $0x0, s22  }
0x13c: {  	p0 =	por $0x0, $0x0;
	[sflag:s21] =	ssyncadd.s32 $0xFFFFD800;
	s7 =	sshra.s32 s7, $0x2  }
0x13d: {  	s25 =	sadd.s32 $0x0, s10;
	s24 =	sshll.u32 s13, $0x2;
	s16 =	simm.s32 @!p0 $0x5180;
	v0 =	vld [tilespmem:s7+$0x1900]  }
0x13e: {  	s10 =	sshra.s32 s25, $0x2;
	s8 =	sadd.s32 $0x0, s24;
	s15 =	sshll.u32 s16, $0x2  }
0x13f: {  	s8 =	sshra.s32 s8, $0x2;
	s30 =	sadd.s32 $0x0, s15;
	v2 =	vld [tilespmem:s10+$0x1900]  }
0x140: {  	v1 =	vld [tilespmem:s8+$0x1900];
	s15 =	sshra.s32 s30, $0x2  }
0x141: {  	s11 =	simm.s32 $0x0;
	v3 =	vld [tilespmem:s15+$0x1900]  }
0x142: {  	s26 =	sadd.s32 $0x0, s9;
	[tilespmem:s11+$0xCD80] =	vst.add.f32.msk $0xffff, v0  }
0x143: {  	v0 =	vld [tilespmem:s26+$0x1910]  }
0x144: {  	[tilespmem:s11+$0xCE00] =	vst.add.f32.msk $0xffff, v2  }
0x145: {  	s24 =	sadd.s32 $0x0, s14;
	[tilespmem:s11+$0xCD00] =	vst.add.f32.msk $0xffff, v1  }
0x146: {  	v1 =	vld [tilespmem:s24+$0x1910]  }
0x147: {  	[tilespmem:s11+$0xCE80] =	vst.add.f32.msk $0xffff, v3  }
0x148: {  	[tilespmem:s11+$0xCD90] =	vst.add.f32.msk $0xffff, v0  }
0x149: {  	s28 =	sadd.s32 $0x0, s13;
	v0 =	vld [tilespmem:s26+$0x1920]  }
0x14a: {  	s25 =	sadd.s32 $0x0, s16;
	v3 =	vld [tilespmem:s28+$0x1910]  }
0x14b: {  	v2 =	vld [tilespmem:s25+$0x1910]  }
0x14c: {  	[tilespmem:s11+$0xCE10] =	vst.add.f32.msk $0xffff, v1  }
0x14d: {  	v1 =	vld [tilespmem:s24+$0x1920]  }
0x14e: {  	[tilespmem:s11+$0xCDA0] =	vst.add.f32.msk $0xffff, v0  }
0x14f: {  	v0 =	vld [tilespmem:s26+$0x1930]  }
0x150: {  	[tilespmem:s11+$0xCE90] =	vst.add.f32.msk $0xffff, v2  }
0x151: {  	v2 =	vld [tilespmem:s25+$0x1920]  }
0x152: {  	[tilespmem:s11+$0xCE20] =	vst.add.f32.msk $0xffff, v1  }
0x153: {  	v1 =	vld [tilespmem:s24+$0x1930]  }
0x154: {  	[tilespmem:s11+$0xCDB0] =	vst.add.f32.msk $0xffff, v0  }
0x155: {  	v4 =	vld [tilespmem:s26+$0x1940]  }
0x156: {  	[tilespmem:s11+$0xCD10] =	vst.add.f32.msk $0xffff, v3  }
0x157: {  	[tilespmem:s11+$0xCEA0] =	vst.add.f32.msk $0xffff, v2  }
0x158: {  	v0 =	vld [tilespmem:s25+$0x1930]  }
0x159: {  	[tilespmem:s11+$0xCE30] =	vst.add.f32.msk $0xffff, v1  }
0x15a: {  	s3 =	smul.u32 $0x50, s3;
	s29 =	simm.s32 $0x800;
	s9 =	simm.s32 $0x4;
	[tilespmem:s11+$0xCDC0] =	vst.add.f32.msk $0xffff, v4  }
.LBB2_7:
0x15b: {  	p0 =	sgt.u32 s9, $0x27;
	p1 =	sgt.u32 s9, $0x26  }
0x15c: {  	s13 =	smov.u32 s9;
	s30 =	sadd.s32 $0x4, s9;
	s20 =	simm.s32 $0xFFFFEC00  }
0x15d: {  	v1 =	vld [tilespmem:s24+$0x1940];
	s17 =	simm.s32 $0xFFFFEC80;
	s19 =	simm.s32 $0xFFFFED00;
	s21 =	simm.s32 $0xFFFFED80  }
0x15e: {  	s20 =	simm.s32 @!p0 $0x5000;
	s17 =	simm.s32 @!p1 $0x5080;
	p0 =	sgt.u32 s13, $0x24;
	v2 =	vld [tilespmem:s26+$0x1950]  }
0x15f: {  	p1 =	sgt.u32 s13, $0x25;
	s14 =	sshll.u32 s20, $0x2;
	s16 =	sshll.u32 s17, $0x2;
	v3 =	vld [tilespmem:s28+$0x1920]  }
0x160: {  	s19 =	simm.s32 @!p1 $0x5100;
	s13 =	sadd.s32 s14, s29;
	s16 =	sadd.s32 s16, s29;
	[tilespmem:s11+$0xCEB0] =	vst.add.f32.msk $0xffff, v0  }
0x161: {  	s21 =	simm.s32 @!p0 $0x5180;
	s14 =	sshra.s32 s13, $0x2;
	s13 =	sshll.u32 s19, $0x2;
	v0 =	vld [tilespmem:s25+$0x1940]  }
0x162: {  	s22 =	sshll.u32 s21, $0x2;
	s18 =	sshra.s32 s16, $0x2;
	s13 =	sadd.s32 s13, s29;
	[tilespmem:s11+$0xCE40] =	vst.add.f32.msk $0xffff, v1  }
0x163: {  	p0 =	slt.u32 s9, $0x4C;
	s16 =	sshra.s32 s13, $0x2;
	s13 =	sadd.s32 s22, s29;
	[tilespmem:s11+$0xCDD0] =	vst.add.f32.msk $0xffff, v2  }
0x164: {  	v1 =	vld [tilespmem:s14+$0x1900];
	s9 =	sshra.s32 s13, $0x2  }
0x165: {  	v2 =	vld [tilespmem:s18+$0x1900]  }
0x166: {  	s13 =	sshra.s32 s29, $0x2;
	v4 =	vld [tilespmem:s16+$0x1900]  }
0x167: {  	s22 =	sadd.s32 s13, s20;
	v5 =	vld [tilespmem:s26+$0x1960]  }
0x168: {  	v6 =	vld [tilespmem:s9+$0x1900]  }
0x169: {  	s26 =	sadd.s32 s13, s17;
	[tilespmem:s11+$0xCD20] =	vst.add.f32.msk $0xffff, v3  }
0x16a: {  	[tilespmem:s13+$0xCD00] =	vst.add.f32.msk $0xffff, v1  }
0x16b: {  	s20 =	sadd.s32 s13, s21;
	v1 =	vld [tilespmem:s24+$0x1950]  }
0x16c: {  	s17 =	sadd.s32 s13, s19;
	[tilespmem:s13+$0xCD80] =	vst.add.f32.msk $0xffff, v2  }
0x16d: {  	v2 =	vld [tilespmem:s28+$0x1930]  }
0x16e: {  	[tilespmem:s13+$0xCE80] =	vst.add.f32.msk $0xffff, v6  }
0x16f: {  	v3 =	vld [tilespmem:s26+$0x1910]  }
0x170: {  	v6 =	vld [tilespmem:s20+$0x1910]  }
0x171: {  	[tilespmem:s13+$0xCE00] =	vst.add.f32.msk $0xffff, v4  }
0x172: {  	v4 =	vld [tilespmem:s17+$0x1910]  }
0x173: {  	[tilespmem:s11+$0xCD30] =	vst.add.f32.msk $0xffff, v2  }
0x174: {  	v2 =	vld [tilespmem:s28+$0x1940]  }
0x175: {  	[tilespmem:s13+$0xCD90] =	vst.add.f32.msk $0xffff, v3  }
0x176: {  	[tilespmem:s11+$0xCDE0] =	vst.add.f32.msk $0xffff, v5  }
0x177: {  	v3 =	vld [tilespmem:s26+$0x1920]  }
0x178: {  	[tilespmem:s13+$0xCE90] =	vst.add.f32.msk $0xffff, v6  }
0x179: {  	[tilespmem:s11+$0xCD40] =	vst.add.f32.msk $0xffff, v2  }
0x17a: {  	v2 =	vld [tilespmem:s28+$0x1950]  }
0x17b: {  	[tilespmem:s11+$0xCEC0] =	vst.add.f32.msk $0xffff, v0  }
0x17c: {  	v0 =	vld [tilespmem:s25+$0x1950]  }
0x17d: {  	[tilespmem:s11+$0xCE50] =	vst.add.f32.msk $0xffff, v1  }
0x17e: {  	[tilespmem:s13+$0xCDA0] =	vst.add.f32.msk $0xffff, v3  }
0x17f: {  	v1 =	vld [tilespmem:s26+$0x1930]  }
0x180: {  	[tilespmem:s11+$0xCD50] =	vst.add.f32.msk $0xffff, v2  }
0x181: {  	v2 =	vld [tilespmem:s28+$0x1960];
	s28 =	smov.u32 s22  }
0x182: {  	[tilespmem:s11+$0xCED0] =	vst.add.f32.msk $0xffff, v0  }
0x183: {  	v0 =	vld [tilespmem:s24+$0x1960];
	s24 =	smov.u32 s17  }
0x184: {  	v3 =	vld [tilespmem:s7+$0x1970];
	s7 =	smov.u32 s18  }
0x185: {  	v5 =	vld [tilespmem:s20+$0x1920]  }
0x186: {  	[tilespmem:s11+$0xCD60] =	vst.add.f32.msk $0xffff, v2  }
0x187: {  	[tilespmem:s13+$0xCE10] =	vst.add.f32.msk $0xffff, v4  }
0x188: {  	[tilespmem:s13+$0xCDB0] =	vst.add.f32.msk $0xffff, v1  }
0x189: {  	[tilespmem:s11+$0xCE60] =	vst.add.f32.msk $0xffff, v0  }
0x18a: {  	[tilespmem:s11+$0xCDF0] =	vst.add.f32.msk $0xffff, v3  }
0x18b: {  	v0 =	vld [tilespmem:s24+$0x1920]  }
0x18c: {  	v1 =	vld [tilespmem:s25+$0x1960];
	s25 =	smov.u32 s20  }
0x18d: {  	[tilespmem:s13+$0xCEA0] =	vst.add.f32.msk $0xffff, v5  }
0x18e: {  	v2 =	vld [tilespmem:s26+$0x1940]  }
0x18f: {  	v3 =	vld [tilespmem:s8+$0x1970];
	s8 =	smov.u32 s14  }
0x190: {  	v4 =	vld [tilespmem:s28+$0x1910]  }
0x191: {  	v5 =	vld [tilespmem:s10+$0x1970];
	s10 =	smov.u32 s16  }
0x192: {  	[tilespmem:s11+$0xCEE0] =	vst.add.f32.msk $0xffff, v1  }
0x193: {  	[tilespmem:s13+$0xCE20] =	vst.add.f32.msk $0xffff, v0  }
0x194: {  	v1 =	vld [tilespmem:s15+$0x1970];
	s15 =	smov.u32 s9  }
0x195: {  	v0 =	vld [tilespmem:s25+$0x1930]  }
0x196: {  	v6 =	vld [tilespmem:s24+$0x1930]  }
0x197: {  	[tilespmem:s11+$0xCE70] =	vst.add.f32.msk $0xffff, v5  }
.Ltmp2:
0x198: {  	[tilespmem:s11+$0xCD70] =	vst.add.f32.msk $0xffff, v3;
	(pc) =	sbr.rel @p0 .LBB2_7-.Ltmp2, $4  }
0x199: {  	[tilespmem:s11+$0xCEF0] =	vst.add.f32.msk $0xffff, v1;
	s11 =	smov.u32 s13  }
0x19a: {  	[tilespmem:s11+$0xCD10] =	vst.add.f32.msk $0xffff, v4  }
0x19b: {  	[tilespmem:s11+$0xCE30] =	vst.add.f32.msk $0xffff, v6  }
0x19c: {  	s29 =	sadd.s32 $0x800, s29;
	s9 =	smov.u32 s30;
	[tilespmem:s11+$0xCDC0] =	vst.add.f32.msk $0xffff, v2  }
0x19d: {  	v1 =	vld [tilespmem:s28+$0x1920]  }
0x19e: {  	v2 =	vld [tilespmem:s24+$0x1940]  }
0x19f: {  	v3 =	vld [tilespmem:s26+$0x1950]  }
0x1a0: {  	[tilespmem:s11+$0xCEB0] =	vst.add.f32.msk $0xffff, v0  }
0x1a1: {  	v0 =	vld [tilespmem:s25+$0x1940]  }
0x1a2: {  	[tilespmem:s11+$0xCD20] =	vst.add.f32.msk $0xffff, v1  }
0x1a3: {  	v1 =	vld [tilespmem:s28+$0x1930]  }
0x1a4: {  	[tilespmem:s11+$0xCDD0] =	vst.add.f32.msk $0xffff, v3  }
0x1a5: {  	[tilespmem:s11+$0xCE40] =	vst.add.f32.msk $0xffff, v2  }
0x1a6: {  	v3 =	vld [tilespmem:s26+$0x1960]  }
0x1a7: {  	v2 =	vld [tilespmem:s24+$0x1950]  }
0x1a8: {  	[tilespmem:s11+$0xCD30] =	vst.add.f32.msk $0xffff, v1  }
0x1a9: {  	v1 =	vld [tilespmem:s28+$0x1940]  }
0x1aa: {  	[tilespmem:s11+$0xCEC0] =	vst.add.f32.msk $0xffff, v0  }
0x1ab: {  	v0 =	vld [tilespmem:s25+$0x1950]  }
0x1ac: {  	[tilespmem:s11+$0xCDE0] =	vst.add.f32.msk $0xffff, v3  }
0x1ad: {  	[tilespmem:s11+$0xCE50] =	vst.add.f32.msk $0xffff, v2  }
0x1ae: {  	[tilespmem:s11+$0xCD40] =	vst.add.f32.msk $0xffff, v1  }
0x1af: {  	v1 =	vld [tilespmem:s28+$0x1950]  }
0x1b0: {  	v2 =	vld [tilespmem:s24+$0x1960]  }
0x1b1: {  	[tilespmem:s11+$0xCED0] =	vst.add.f32.msk $0xffff, v0  }
0x1b2: {  	v0 =	vld [tilespmem:s7+$0x1970]  }
0x1b3: {  	v3 =	vld [tilespmem:s25+$0x1960]  }
0x1b4: {  	[tilespmem:s11+$0xCD50] =	vst.add.f32.msk $0xffff, v1  }
0x1b5: {  	v1 =	vld [tilespmem:s28+$0x1960]  }
0x1b6: {  	[tilespmem:s11+$0xCE60] =	vst.add.f32.msk $0xffff, v2  }
0x1b7: {  	v2 =	vld [tilespmem:s10+$0x1970]  }
0x1b8: {  	[tilespmem:s11+$0xCEE0] =	vst.add.f32.msk $0xffff, v3  }
0x1b9: {  	v3 =	vld [tilespmem:s15+$0x1970]  }
0x1ba: {  	[tilespmem:s11+$0xCD60] =	vst.add.f32.msk $0xffff, v1  }
0x1bb: {  	v1 =	vld [tilespmem:s8+$0x1970];
	_ =	sdelay $0x1  }
0x1bc: {  	[tilespmem:s11+$0xCDF0] =	vst.add.f32.msk $0xffff, v0  }
0x1bd: {  	s3 =	sadd.s32 s5, s3;
	[tilespmem:s11+$0xCE70] =	vst.add.f32.msk $0xffff, v2  }
0x1be: {  	s3 =	sshll.u32 s3, $0x4;
	[tilespmem:s11+$0xCEF0] =	vst.add.f32.msk $0xffff, v3  }
0x1bf: {  	p0 =	seq.s32 s31, $0xF;
	s3 =	sadd.s32 s4, s3;
	[tilespmem:s11+$0xCD70] =	vst.add.f32.msk $0xffff, v1;
	s11 =	simm.s32 $0xCD00  }
0x1c0: {  	[hbm4b:s3+s6] =	stream.linear.scatter [tilespmem:s11], [sflag:$0x8], $0x2800, $0x38;
	[tilespmem:$0x14500] =	vst v63  }
0x1c1: {  	s3 =	simm.s32 @!p0 $0x6  }
0x1c2: {  	s7 =	smul.u32 @!p0 $0x640, s31;
	_ =	swait.ge @!p0 [sflag:s3], $0x2800  }
0x1c3: {  	[sflag:s3] =	ssyncset.done @!p0 $0x0  }
0x1c4: {  	s30 =	simm.s32 $0x4;
	[sflag:s3] =	ssyncadd.s32 @!p0 $0xFFFFD800;
	s3 =	sshra.s32 @!p0 s7, $0x2  }
0x1c5: {  	s9 =	simm.s32 @!p0 $0x7D00;
	s8 =	simm.s32 @!p0 $0x50;
	s7 =	sadd.s32 @!p0 $0x190, s3  }
0x1c6: {  	[tilespmem:s9], [sflag:$0x1] =	stream.indirect.gather @!p0 [hbm4b:s1+s8], $0x80, s7, s8, $0xb8;
	[tilespmem:$0x14500] =	vst v63  }
0x1c7: {  	_ =	swait.ge [sflag:s30], $0x2800  }
0x1c8: {  	[sflag:s30] =	ssyncset.done $0x0  }
0x1c9: {  	s7 =	simm.s32 $0x0;
	[sflag:s30] =	ssyncadd.s32 $0xFFFFD800  }
0x1ca: {  	v0 =	vld [tilespmem:s7+$0x2EF0]  }
0x1cb: {  	v1 =	vld [tilespmem:s7+$0x2D00]  }
0x1cc: {  	v2 =	vld [tilespmem:s7+$0x2D10]  }
0x1cd: {  	v3 =	vld [tilespmem:s7+$0x2D20]  }
0x1ce: {  	v4 =	vld [tilespmem:s7+$0x2D30]  }
0x1cf: {  	v5 =	vld [tilespmem:s7+$0x2D40]  }
0x1d0: {  	v6 =	vld [tilespmem:s7+$0x2D50]  }
0x1d1: {  	v7 =	vld [tilespmem:s7+$0x2D60]  }
0x1d2: {  	v8 =	vld [tilespmem:s7+$0x2D70]  }
0x1d3: {  	v9 =	vld [tilespmem:s7+$0x2D80]  }
0x1d4: {  	v10 =	vld [tilespmem:s7+$0x2D90]  }
0x1d5: {  	v11 =	vld [tilespmem:s7+$0x2DA0]  }
0x1d6: {  	v12 =	vld [tilespmem:s7+$0x2DB0]  }
0x1d7: {  	v13 =	vld [tilespmem:s7+$0x2DC0]  }
0x1d8: {  	v14 =	vld [tilespmem:s7+$0x2DD0]  }
0x1d9: {  	v15 =	vld [tilespmem:s7+$0x2DE0]  }
0x1da: {  	v16 =	vld [tilespmem:s7+$0x2DF0]  }
0x1db: {  	v17 =	vld [tilespmem:s7+$0x2E00]  }
0x1dc: {  	v18 =	vld [tilespmem:s7+$0x2E10]  }
0x1dd: {  	v19 =	vld [tilespmem:s7+$0x2E20]  }
0x1de: {  	v20 =	vld [tilespmem:s7+$0x2E30]  }
0x1df: {  	v21 =	vld [tilespmem:s7+$0x2E40]  }
0x1e0: {  	v22 =	vld [tilespmem:s7+$0x2E50]  }
0x1e1: {  	v23 =	vld [tilespmem:s7+$0x2E60]  }
0x1e2: {  	v24 =	vld [tilespmem:s7+$0x2E70]  }
0x1e3: {  	v25 =	vld [tilespmem:s7+$0x2E80]  }
0x1e4: {  	v26 =	vld [tilespmem:s7+$0x2E90]  }
0x1e5: {  	v27 =	vld [tilespmem:s7+$0x2EA0]  }
0x1e6: {  	v28 =	vld [tilespmem:s7+$0x2EB0]  }
0x1e7: {  	v29 =	vld [tilespmem:s7+$0x2EC0]  }
0x1e8: {  	v30 =	vld [tilespmem:s7+$0x2ED0]  }
0x1e9: {  	[tilespmem:s7+$0xF6F0] =	vst.add.f32.msk $0xffff, v0  }
0x1ea: {  	v0 =	vld [tilespmem:s7+$0x2EE0]  }
0x1eb: {  	[tilespmem:s7+$0xF500] =	vst.add.f32.msk $0xffff, v1  }
0x1ec: {  	[tilespmem:s7+$0xF510] =	vst.add.f32.msk $0xffff, v2  }
0x1ed: {  	[tilespmem:s7+$0xF520] =	vst.add.f32.msk $0xffff, v3  }
0x1ee: {  	[tilespmem:s7+$0xF530] =	vst.add.f32.msk $0xffff, v4  }
0x1ef: {  	[tilespmem:s7+$0xF540] =	vst.add.f32.msk $0xffff, v5  }
0x1f0: {  	[tilespmem:s7+$0xF550] =	vst.add.f32.msk $0xffff, v6  }
0x1f1: {  	[tilespmem:s7+$0xF560] =	vst.add.f32.msk $0xffff, v7  }
0x1f2: {  	[tilespmem:s7+$0xF570] =	vst.add.f32.msk $0xffff, v8  }
0x1f3: {  	[tilespmem:s7+$0xF580] =	vst.add.f32.msk $0xffff, v9  }
0x1f4: {  	[tilespmem:s7+$0xF590] =	vst.add.f32.msk $0xffff, v10  }
0x1f5: {  	[tilespmem:s7+$0xF5A0] =	vst.add.f32.msk $0xffff, v11  }
0x1f6: {  	[tilespmem:s7+$0xF5B0] =	vst.add.f32.msk $0xffff, v12  }
0x1f7: {  	[tilespmem:s7+$0xF5C0] =	vst.add.f32.msk $0xffff, v13  }
0x1f8: {  	[tilespmem:s7+$0xF5D0] =	vst.add.f32.msk $0xffff, v14  }
0x1f9: {  	[tilespmem:s7+$0xF5E0] =	vst.add.f32.msk $0xffff, v15  }
0x1fa: {  	[tilespmem:s7+$0xF5F0] =	vst.add.f32.msk $0xffff, v16  }
0x1fb: {  	[tilespmem:s7+$0xF600] =	vst.add.f32.msk $0xffff, v17  }
0x1fc: {  	[tilespmem:s7+$0xF610] =	vst.add.f32.msk $0xffff, v18  }
0x1fd: {  	[tilespmem:s7+$0xF620] =	vst.add.f32.msk $0xffff, v19  }
0x1fe: {  	[tilespmem:s7+$0xF630] =	vst.add.f32.msk $0xffff, v20  }
0x1ff: {  	[tilespmem:s7+$0xF640] =	vst.add.f32.msk $0xffff, v21  }
0x200: {  	[tilespmem:s7+$0xF650] =	vst.add.f32.msk $0xffff, v22  }
0x201: {  	[tilespmem:s7+$0xF660] =	vst.add.f32.msk $0xffff, v23  }
0x202: {  	[tilespmem:s7+$0xF670] =	vst.add.f32.msk $0xffff, v24  }
0x203: {  	[tilespmem:s7+$0xF680] =	vst.add.f32.msk $0xffff, v25  }
0x204: {  	[tilespmem:s7+$0xF690] =	vst.add.f32.msk $0xffff, v26  }
0x205: {  	[tilespmem:s7+$0xF6A0] =	vst.add.f32.msk $0xffff, v27  }
0x206: {  	[tilespmem:s7+$0xF6B0] =	vst.add.f32.msk $0xffff, v28  }
0x207: {  	[tilespmem:s7+$0xF6C0] =	vst.add.f32.msk $0xffff, v29  }
0x208: {  	s0 =	smul.u32 $0x50, s0;
	s10 =	simm.s32 $0x800;
	s8 =	simm.s32 $0x0;
	[tilespmem:s7+$0xF6D0] =	vst.add.f32.msk $0xffff, v30  }
.LBB2_9:
0x209: {  	s8 =	sadd.s32 $0x4, s8;
	[tilespmem:s7+$0xF6E0] =	vst.add.f32.msk $0xffff, v0;
	s7 =	sshra.s32 s10, $0x2  }
0x20a: {  	v0 =	vld [tilespmem:s7+$0x2EF0];
	p1 =	slt.u32 s8, $0x4C  }
0x20b: {  	v1 =	vld [tilespmem:s7+$0x2D00]  }
0x20c: {  	v2 =	vld [tilespmem:s7+$0x2D10]  }
0x20d: {  	v3 =	vld [tilespmem:s7+$0x2D20]  }
0x20e: {  	v4 =	vld [tilespmem:s7+$0x2D30]  }
0x20f: {  	[tilespmem:s7+$0xF6F0] =	vst.add.f32.msk $0xffff, v0  }
0x210: {  	v5 =	vld [tilespmem:s7+$0x2D40]  }
0x211: {  	v6 =	vld [tilespmem:s7+$0x2D50]  }
0x212: {  	v7 =	vld [tilespmem:s7+$0x2D60]  }
0x213: {  	v8 =	vld [tilespmem:s7+$0x2D70]  }
0x214: {  	v9 =	vld [tilespmem:s7+$0x2D80]  }
0x215: {  	v10 =	vld [tilespmem:s7+$0x2D90]  }
0x216: {  	v11 =	vld [tilespmem:s7+$0x2DA0]  }
0x217: {  	v12 =	vld [tilespmem:s7+$0x2DB0]  }
0x218: {  	v13 =	vld [tilespmem:s7+$0x2DC0]  }
0x219: {  	v14 =	vld [tilespmem:s7+$0x2DD0]  }
0x21a: {  	v15 =	vld [tilespmem:s7+$0x2DE0]  }
0x21b: {  	v16 =	vld [tilespmem:s7+$0x2DF0]  }
0x21c: {  	v17 =	vld [tilespmem:s7+$0x2E00]  }
0x21d: {  	v18 =	vld [tilespmem:s7+$0x2E10]  }
0x21e: {  	v19 =	vld [tilespmem:s7+$0x2E20]  }
0x21f: {  	v20 =	vld [tilespmem:s7+$0x2E30]  }
0x220: {  	v21 =	vld [tilespmem:s7+$0x2E40]  }
0x221: {  	v22 =	vld [tilespmem:s7+$0x2E50]  }
0x222: {  	v23 =	vld [tilespmem:s7+$0x2E60]  }
0x223: {  	v24 =	vld [tilespmem:s7+$0x2E70]  }
0x224: {  	v25 =	vld [tilespmem:s7+$0x2E80]  }
0x225: {  	v26 =	vld [tilespmem:s7+$0x2E90]  }
0x226: {  	v27 =	vld [tilespmem:s7+$0x2EA0]  }
0x227: {  	v28 =	vld [tilespmem:s7+$0x2EB0]  }
0x228: {  	v29 =	vld [tilespmem:s7+$0x2EC0]  }
0x229: {  	v30 =	vld [tilespmem:s7+$0x2ED0]  }
0x22a: {  	v0 =	vld [tilespmem:s7+$0x2EE0]  }
0x22b: {  	[tilespmem:s7+$0xF500] =	vst.add.f32.msk $0xffff, v1  }
0x22c: {  	[tilespmem:s7+$0xF510] =	vst.add.f32.msk $0xffff, v2  }
0x22d: {  	[tilespmem:s7+$0xF520] =	vst.add.f32.msk $0xffff, v3  }
0x22e: {  	[tilespmem:s7+$0xF530] =	vst.add.f32.msk $0xffff, v4  }
0x22f: {  	[tilespmem:s7+$0xF540] =	vst.add.f32.msk $0xffff, v5  }
0x230: {  	[tilespmem:s7+$0xF550] =	vst.add.f32.msk $0xffff, v6  }
0x231: {  	[tilespmem:s7+$0xF560] =	vst.add.f32.msk $0xffff, v7  }
0x232: {  	[tilespmem:s7+$0xF570] =	vst.add.f32.msk $0xffff, v8  }
0x233: {  	[tilespmem:s7+$0xF580] =	vst.add.f32.msk $0xffff, v9  }
0x234: {  	[tilespmem:s7+$0xF590] =	vst.add.f32.msk $0xffff, v10  }
0x235: {  	[tilespmem:s7+$0xF5A0] =	vst.add.f32.msk $0xffff, v11  }
0x236: {  	[tilespmem:s7+$0xF5B0] =	vst.add.f32.msk $0xffff, v12  }
0x237: {  	[tilespmem:s7+$0xF5C0] =	vst.add.f32.msk $0xffff, v13  }
0x238: {  	[tilespmem:s7+$0xF5D0] =	vst.add.f32.msk $0xffff, v14  }
0x239: {  	[tilespmem:s7+$0xF5E0] =	vst.add.f32.msk $0xffff, v15  }
0x23a: {  	[tilespmem:s7+$0xF5F0] =	vst.add.f32.msk $0xffff, v16  }
0x23b: {  	[tilespmem:s7+$0xF600] =	vst.add.f32.msk $0xffff, v17  }
0x23c: {  	[tilespmem:s7+$0xF610] =	vst.add.f32.msk $0xffff, v18  }
0x23d: {  	[tilespmem:s7+$0xF620] =	vst.add.f32.msk $0xffff, v19  }
0x23e: {  	[tilespmem:s7+$0xF630] =	vst.add.f32.msk $0xffff, v20  }
0x23f: {  	[tilespmem:s7+$0xF640] =	vst.add.f32.msk $0xffff, v21  }
0x240: {  	[tilespmem:s7+$0xF650] =	vst.add.f32.msk $0xffff, v22  }
0x241: {  	[tilespmem:s7+$0xF660] =	vst.add.f32.msk $0xffff, v23  }
0x242: {  	[tilespmem:s7+$0xF670] =	vst.add.f32.msk $0xffff, v24  }
0x243: {  	[tilespmem:s7+$0xF680] =	vst.add.f32.msk $0xffff, v25  }
.Ltmp3:
0x244: {  	[tilespmem:s7+$0xF690] =	vst.add.f32.msk $0xffff, v26;
	(pc) =	sbr.rel @p1 .LBB2_9-.Ltmp3, $4  }
0x245: {  	[tilespmem:s7+$0xF6A0] =	vst.add.f32.msk $0xffff, v27  }
0x246: {  	[tilespmem:s7+$0xF6B0] =	vst.add.f32.msk $0xffff, v28  }
0x247: {  	[tilespmem:s7+$0xF6C0] =	vst.add.f32.msk $0xffff, v29  }
0x248: {  	s10 =	sadd.s32 $0x800, s10;
	[tilespmem:s7+$0xF6D0] =	vst.add.f32.msk $0xffff, v30  }
0x249: {  	s0 =	sadd.s32 s5, s0  }
0x24a: {  	s0 =	sshll.u32 s0, $0x4  }
0x24b: {  	[tilespmem:s7+$0xF6E0] =	vst.add.f32.msk $0xffff, v0;
	s10 =	simm.s32 $0xF500;
	s0 =	sadd.s32 s4, s0  }
0x24c: {  	[hbm4b:s0+s6] =	stream.linear.scatter [tilespmem:s10], [sflag:$0x9], $0x2800, $0x38;
	[tilespmem:$0x14500] =	vst v63  }
0x24d: {  	s0 =	simm.s32 @!p0 $0x7  }
0x24e: {  	_ =	swait.ge @!p0 [sflag:s0], $0x2800  }
0x24f: {  	s7 =	simm.s32 @!p0 $0xA500;
	[sflag:s0] =	ssyncset.done @!p0 $0x0  }
0x250: {  	[sflag:s0] =	ssyncadd.s32 @!p0 $0xFFFFD800;
	s0 =	sadd.s32 @!p0 $0x1E0, s3;
	s3 =	simm.s32 @!p0 $0x50  }
0x251: {  	[tilespmem:s7], [sflag:$0x2] =	stream.indirect.gather @!p0 [hbm4b:s1+s3], $0x80, s0, s3, $0xb8;
	[tilespmem:$0x14500] =	vst v63  }
0x252: {  	_ =	swait.ge [sflag:s23], $0x2800  }
0x253: {  	[sflag:s23] =	ssyncset.done $0x0  }
0x254: {  	s0 =	simm.s32 $0x0;
	[sflag:s23] =	ssyncadd.s32 $0xFFFFD800  }
0x255: {  	v0 =	vld [tilespmem:s0+$0x56F0]  }
0x256: {  	v1 =	vld [tilespmem:s0+$0x5500]  }
0x257: {  	v2 =	vld [tilespmem:s0+$0x5510]  }
0x258: {  	v3 =	vld [tilespmem:s0+$0x5520]  }
0x259: {  	v4 =	vld [tilespmem:s0+$0x5530]  }
0x25a: {  	v5 =	vld [tilespmem:s0+$0x5540]  }
0x25b: {  	v6 =	vld [tilespmem:s0+$0x5550]  }
0x25c: {  	v7 =	vld [tilespmem:s0+$0x5560]  }
0x25d: {  	v8 =	vld [tilespmem:s0+$0x5570]  }
0x25e: {  	v9 =	vld [tilespmem:s0+$0x5580]  }
0x25f: {  	v10 =	vld [tilespmem:s0+$0x5590]  }
0x260: {  	v11 =	vld [tilespmem:s0+$0x55A0]  }
0x261: {  	v12 =	vld [tilespmem:s0+$0x55B0]  }
0x262: {  	v13 =	vld [tilespmem:s0+$0x55C0]  }
0x263: {  	v14 =	vld [tilespmem:s0+$0x55D0]  }
0x264: {  	v15 =	vld [tilespmem:s0+$0x55E0]  }
0x265: {  	v16 =	vld [tilespmem:s0+$0x55F0]  }
0x266: {  	v17 =	vld [tilespmem:s0+$0x5600]  }
0x267: {  	v18 =	vld [tilespmem:s0+$0x5610]  }
0x268: {  	v19 =	vld [tilespmem:s0+$0x5620]  }
0x269: {  	v20 =	vld [tilespmem:s0+$0x5630]  }
0x26a: {  	v21 =	vld [tilespmem:s0+$0x5640]  }
0x26b: {  	v22 =	vld [tilespmem:s0+$0x5650]  }
0x26c: {  	v23 =	vld [tilespmem:s0+$0x5660]  }
0x26d: {  	v24 =	vld [tilespmem:s0+$0x5670]  }
0x26e: {  	v25 =	vld [tilespmem:s0+$0x5680]  }
0x26f: {  	v26 =	vld [tilespmem:s0+$0x5690]  }
0x270: {  	v27 =	vld [tilespmem:s0+$0x56A0]  }
0x271: {  	v28 =	vld [tilespmem:s0+$0x56B0]  }
0x272: {  	v29 =	vld [tilespmem:s0+$0x56C0]  }
0x273: {  	v30 =	vld [tilespmem:s0+$0x56D0]  }
0x274: {  	[tilespmem:s0+$0x11EF0] =	vst.add.f32.msk $0xffff, v0  }
0x275: {  	v0 =	vld [tilespmem:s0+$0x56E0]  }
0x276: {  	[tilespmem:s0+$0x11D00] =	vst.add.f32.msk $0xffff, v1  }
0x277: {  	[tilespmem:s0+$0x11D10] =	vst.add.f32.msk $0xffff, v2  }
0x278: {  	[tilespmem:s0+$0x11D20] =	vst.add.f32.msk $0xffff, v3  }
0x279: {  	[tilespmem:s0+$0x11D30] =	vst.add.f32.msk $0xffff, v4  }
0x27a: {  	[tilespmem:s0+$0x11D40] =	vst.add.f32.msk $0xffff, v5  }
0x27b: {  	[tilespmem:s0+$0x11D50] =	vst.add.f32.msk $0xffff, v6  }
0x27c: {  	[tilespmem:s0+$0x11D60] =	vst.add.f32.msk $0xffff, v7  }
0x27d: {  	[tilespmem:s0+$0x11D70] =	vst.add.f32.msk $0xffff, v8  }
0x27e: {  	[tilespmem:s0+$0x11D80] =	vst.add.f32.msk $0xffff, v9  }
0x27f: {  	[tilespmem:s0+$0x11D90] =	vst.add.f32.msk $0xffff, v10  }
0x280: {  	[tilespmem:s0+$0x11DA0] =	vst.add.f32.msk $0xffff, v11  }
0x281: {  	[tilespmem:s0+$0x11DB0] =	vst.add.f32.msk $0xffff, v12  }
0x282: {  	[tilespmem:s0+$0x11DC0] =	vst.add.f32.msk $0xffff, v13  }
0x283: {  	[tilespmem:s0+$0x11DD0] =	vst.add.f32.msk $0xffff, v14  }
0x284: {  	[tilespmem:s0+$0x11DE0] =	vst.add.f32.msk $0xffff, v15  }
0x285: {  	[tilespmem:s0+$0x11DF0] =	vst.add.f32.msk $0xffff, v16  }
0x286: {  	[tilespmem:s0+$0x11E00] =	vst.add.f32.msk $0xffff, v17  }
0x287: {  	[tilespmem:s0+$0x11E10] =	vst.add.f32.msk $0xffff, v18  }
0x288: {  	[tilespmem:s0+$0x11E20] =	vst.add.f32.msk $0xffff, v19  }
0x289: {  	[tilespmem:s0+$0x11E30] =	vst.add.f32.msk $0xffff, v20  }
0x28a: {  	[tilespmem:s0+$0x11E40] =	vst.add.f32.msk $0xffff, v21  }
0x28b: {  	[tilespmem:s0+$0x11E50] =	vst.add.f32.msk $0xffff, v22  }
0x28c: {  	[tilespmem:s0+$0x11E60] =	vst.add.f32.msk $0xffff, v23  }
0x28d: {  	[tilespmem:s0+$0x11E70] =	vst.add.f32.msk $0xffff, v24  }
0x28e: {  	[tilespmem:s0+$0x11E80] =	vst.add.f32.msk $0xffff, v25  }
0x28f: {  	[tilespmem:s0+$0x11E90] =	vst.add.f32.msk $0xffff, v26  }
0x290: {  	[tilespmem:s0+$0x11EA0] =	vst.add.f32.msk $0xffff, v27  }
0x291: {  	[tilespmem:s0+$0x11EB0] =	vst.add.f32.msk $0xffff, v28  }
0x292: {  	s2 =	smul.u32 $0x50, s2;
	[tilespmem:s0+$0x11EC0] =	vst.add.f32.msk $0xffff, v29  }
0x293: {  	s13 =	simm.s32 $0x11D00;
	s3 =	simm.s32 $0x0;
	s7 =	simm.s32 $0x800;
	[tilespmem:s0+$0x11ED0] =	vst.add.f32.msk $0xffff, v30  }
.LBB2_11:
0x294: {  	s3 =	sadd.s32 $0x4, s3;
	[tilespmem:s0+$0x11EE0] =	vst.add.f32.msk $0xffff, v0;
	s0 =	sshra.s32 s7, $0x2  }
0x295: {  	v0 =	vld [tilespmem:s0+$0x56F0];
	p0 =	slt.u32 s3, $0x4C  }
0x296: {  	v1 =	vld [tilespmem:s0+$0x5500]  }
0x297: {  	v2 =	vld [tilespmem:s0+$0x5510]  }
0x298: {  	v3 =	vld [tilespmem:s0+$0x5520]  }
0x299: {  	v4 =	vld [tilespmem:s0+$0x5530]  }
0x29a: {  	[tilespmem:s0+$0x11EF0] =	vst.add.f32.msk $0xffff, v0  }
0x29b: {  	v5 =	vld [tilespmem:s0+$0x5540]  }
0x29c: {  	v6 =	vld [tilespmem:s0+$0x5550]  }
0x29d: {  	v7 =	vld [tilespmem:s0+$0x5560]  }
0x29e: {  	v8 =	vld [tilespmem:s0+$0x5570]  }
0x29f: {  	v9 =	vld [tilespmem:s0+$0x5580]  }
0x2a0: {  	v10 =	vld [tilespmem:s0+$0x5590]  }
0x2a1: {  	v11 =	vld [tilespmem:s0+$0x55A0]  }
0x2a2: {  	v12 =	vld [tilespmem:s0+$0x55B0]  }
0x2a3: {  	v13 =	vld [tilespmem:s0+$0x55C0]  }
0x2a4: {  	v14 =	vld [tilespmem:s0+$0x55D0]  }
0x2a5: {  	v15 =	vld [tilespmem:s0+$0x55E0]  }
0x2a6: {  	v16 =	vld [tilespmem:s0+$0x55F0]  }
0x2a7: {  	v17 =	vld [tilespmem:s0+$0x5600]  }
0x2a8: {  	v18 =	vld [tilespmem:s0+$0x5610]  }
0x2a9: {  	v19 =	vld [tilespmem:s0+$0x5620]  }
0x2aa: {  	v20 =	vld [tilespmem:s0+$0x5630]  }
0x2ab: {  	v21 =	vld [tilespmem:s0+$0x5640]  }
0x2ac: {  	v22 =	vld [tilespmem:s0+$0x5650]  }
0x2ad: {  	v23 =	vld [tilespmem:s0+$0x5660]  }
0x2ae: {  	v24 =	vld [tilespmem:s0+$0x5670]  }
0x2af: {  	v25 =	vld [tilespmem:s0+$0x5680]  }
0x2b0: {  	v26 =	vld [tilespmem:s0+$0x5690]  }
0x2b1: {  	v27 =	vld [tilespmem:s0+$0x56A0]  }
0x2b2: {  	v28 =	vld [tilespmem:s0+$0x56B0]  }
0x2b3: {  	v29 =	vld [tilespmem:s0+$0x56C0]  }
0x2b4: {  	v30 =	vld [tilespmem:s0+$0x56D0]  }
0x2b5: {  	v0 =	vld [tilespmem:s0+$0x56E0]  }
0x2b6: {  	[tilespmem:s0+$0x11D00] =	vst.add.f32.msk $0xffff, v1  }
0x2b7: {  	[tilespmem:s0+$0x11D10] =	vst.add.f32.msk $0xffff, v2  }
0x2b8: {  	[tilespmem:s0+$0x11D20] =	vst.add.f32.msk $0xffff, v3  }
0x2b9: {  	[tilespmem:s0+$0x11D30] =	vst.add.f32.msk $0xffff, v4  }
0x2ba: {  	[tilespmem:s0+$0x11D40] =	vst.add.f32.msk $0xffff, v5  }
0x2bb: {  	[tilespmem:s0+$0x11D50] =	vst.add.f32.msk $0xffff, v6  }
0x2bc: {  	[tilespmem:s0+$0x11D60] =	vst.add.f32.msk $0xffff, v7  }
0x2bd: {  	[tilespmem:s0+$0x11D70] =	vst.add.f32.msk $0xffff, v8  }
0x2be: {  	[tilespmem:s0+$0x11D80] =	vst.add.f32.msk $0xffff, v9  }
0x2bf: {  	[tilespmem:s0+$0x11D90] =	vst.add.f32.msk $0xffff, v10  }
0x2c0: {  	[tilespmem:s0+$0x11DA0] =	vst.add.f32.msk $0xffff, v11  }
0x2c1: {  	[tilespmem:s0+$0x11DB0] =	vst.add.f32.msk $0xffff, v12  }
0x2c2: {  	[tilespmem:s0+$0x11DC0] =	vst.add.f32.msk $0xffff, v13  }
0x2c3: {  	[tilespmem:s0+$0x11DD0] =	vst.add.f32.msk $0xffff, v14  }
0x2c4: {  	[tilespmem:s0+$0x11DE0] =	vst.add.f32.msk $0xffff, v15  }
0x2c5: {  	[tilespmem:s0+$0x11DF0] =	vst.add.f32.msk $0xffff, v16  }
0x2c6: {  	[tilespmem:s0+$0x11E00] =	vst.add.f32.msk $0xffff, v17  }
0x2c7: {  	[tilespmem:s0+$0x11E10] =	vst.add.f32.msk $0xffff, v18  }
0x2c8: {  	[tilespmem:s0+$0x11E20] =	vst.add.f32.msk $0xffff, v19  }
0x2c9: {  	[tilespmem:s0+$0x11E30] =	vst.add.f32.msk $0xffff, v20  }
0x2ca: {  	[tilespmem:s0+$0x11E40] =	vst.add.f32.msk $0xffff, v21  }
0x2cb: {  	[tilespmem:s0+$0x11E50] =	vst.add.f32.msk $0xffff, v22  }
0x2cc: {  	[tilespmem:s0+$0x11E60] =	vst.add.f32.msk $0xffff, v23  }
0x2cd: {  	[tilespmem:s0+$0x11E70] =	vst.add.f32.msk $0xffff, v24  }
0x2ce: {  	[tilespmem:s0+$0x11E80] =	vst.add.f32.msk $0xffff, v25  }
.Ltmp4:
0x2cf: {  	[tilespmem:s0+$0x11E90] =	vst.add.f32.msk $0xffff, v26;
	(pc) =	sbr.rel @p0 .LBB2_11-.Ltmp4, $4  }
0x2d0: {  	[tilespmem:s0+$0x11EA0] =	vst.add.f32.msk $0xffff, v27  }
0x2d1: {  	[tilespmem:s0+$0x11EB0] =	vst.add.f32.msk $0xffff, v28  }
0x2d2: {  	[tilespmem:s0+$0x11EC0] =	vst.add.f32.msk $0xffff, v29  }
0x2d3: {  	s7 =	sadd.s32 $0x800, s7;
	[tilespmem:s0+$0x11ED0] =	vst.add.f32.msk $0xffff, v30  }
0x2d4: {  	s31 =	sadd.s32 $0x1, s31  }
0x2d5: {  	p0 =	sne.s32 s31, $0x10  }
.Ltmp5:
0x2d6: {  	_ = 	snop;
	(pc) =	sbr.rel @p0 .LBB2_2-.Ltmp5, $4  }
0x2d7: {  	s2 =	sadd.s32 s5, s2  }
0x2d8: {  	s2 =	sshll.u32 s2, $0x4  }
0x2d9: {  	[tilespmem:s0+$0x11EE0] =	vst.add.f32.msk $0xffff, v0;
	s30 =	sadd.s32 s4, s2  }
0x2da: {  	[hbm4b:s30+s6] =	stream.linear.scatter [tilespmem:s13], [sflag:$0xA], $0x2800, $0x38;
	[tilespmem:$0x14500] =	vst v63  }
0x2db: {  	s0 =	simm.s32 $0x6  }
0x2dc: {  	_ =	swait.ge [sflag:s0], $0x2800  }
0x2dd: {  	[sflag:s0] =	ssyncset.done $0x0  }
0x2de: {  	s28 =	simm.s32 $0x7;
	[sflag:s0] =	ssyncadd.s32 $0xFFFFD800  }
0x2df: {  	_ =	swait.ge [sflag:s28], $0x2800  }
0x2e0: {  	[sflag:s28] =	ssyncset.done $0x0  }
0x2e1: {  	s29 =	simm.s32 $0x8;
	[sflag:s28] =	ssyncadd.s32 $0xFFFFD800  }
0x2e2: {  	_ =	swait.ge [sflag:s29], $0x2800  }
0x2e3: {  	[sflag:s29] =	ssyncset.done $0x0  }
0x2e4: {  	s30 =	simm.s32 $0x9;
	[sflag:s29] =	ssyncadd.s32 $0xFFFFD800  }
0x2e5: {  	_ =	swait.ge [sflag:s30], $0x2800  }
0x2e6: {  	[sflag:s30] =	ssyncset.done $0x0  }
0x2e7: {  	s2 =	simm.s32 $0xA;
	[sflag:s30] =	ssyncadd.s32 $0xFFFFD800  }
0x2e8: {  	_ =	swait.ge [sflag:s2], $0x2800  }
0x2e9: {  	s3 =	rddreg [dreg:$0x8]  }
0x2ea: {  	s31 =	rddreg [dreg:$0x6];
	s3 =	sadd.s32 $0x1, s3  }
0x2eb: {  	p0 =	sne.s32 s3, s31  }
.Ltmp6:
0x2ec: {  	_ = 	snop;
	(pc) =	sbr.rel @p0 .LBB2_1-.Ltmp6, $3  }
0x2ed: {  	_ =	sdelay $0x1  }
0x2ee: {  	[sflag:s2] =	ssyncset.done $0x0  }
0x2ef: {  	[sflag:s2] =	ssyncadd.s32 $0xFFFFD800  }
0x2f0: {  	_ =	sfence.sel $0x180000  }
0x2f1: {  	[bflag:$0x0] =	sbarrier.arrive $0xFFFF  }
0x2f2: {  	_ =	strace $0x90000047  }
0x2f3: {  	s0 =	stileid.u32;
	[bflag:$0x2] =	sbarrier.arrive $0xFFFF  }
0x2f4: {  	p0 =	sne.s32 s0, $0x0;
	s0 =	rddreg [dreg:$0x4]  }
0x2f5: {  	s0 =	sadd.s32 @!p0 $0x100000, s0  }
0x2f6: {  	[sflag:s0] =	ssyncadd.tile.s32 @!p0 $0x1;
	_ =	shalt  }
.Lfunc_end2:
_tile_overlayer_lowered:
.L_overlay_start_2:
0x2f7: {  	(tag) =	ssettag $0x2  }
0x2f8: {  	s0 =	rddreg [dreg:$0x0];
	s2 =	stileid.u32  }
0x2f9: {  	s1 =	rddreg [dreg:$0x1];
	p0 =	sne.s32 s2, $0x0  }
0x2fa: {  	s3 =	rddreg [dreg:$0x2];
	[bflag:$0x3] =	sbarrier.arrive $0xFFFF;
	s2 =	simm.s32 @!p0 $0x1C0C  }
0x2fb: {  	[timem:s3], [sflag:s2] =	dma.local @!p0 [hbm:s0], s1  }
0x2fc: {  	s0 =	simm.s32 @!p0 $0xC  }
0x2fd: {  	_ =	swait.ge @!p0 [sflag:s0], s1  }
0x2fe: {  	s1 =	ssub.s32 @!p0 $0x0, s1;
	[sflag:s0] =	ssyncset.done @!p0 $0x0  }
0x2ff: {  	[sflag:s0] =	ssyncadd.s32 @!p0 s1  }
0x300: {  	[bflag:$0x3] =	sbarrier.arrive $0xFFFF  }
0x301: {  	_ =	shalt  }

</sc_bundles>
